<compile_context>
chip_gen: v7x
topology: tpu7x:2x2x1
jax: 0.10.2.dev20260603
libtpu: 0.0.44.dev20260713+nightly
codegen_flags: <defaults>
</compile_context>

<pallas_src>
import functools

import jax
import jax.numpy as jnp
from jax import lax
from jax.experimental import pallas as pl
from jax.experimental.pallas import tpu as pltpu
from jax.experimental.pallas import tpu_sc as plsc

N = 100000
D = 128
G = 16
TOPK = 64
BLK = 20000
NBLK = N // BLK

NW = 32
SHARD = 3136
NCHUNK = SHARD // 16
POOL = 8


def _pass1_body(seg_ref, x_ref, gwt_ref, gb_ref, w1_ref, b1_ref, w2_ref,
                b2_ref, gate_out_ref, out_ref, c_out_ref,
                m_s, l_s, acc_s):
    i = pl.program_id(0)

    @pl.when(i == 0)
    def _init():
        m_s[...] = jnp.full((G, 1), -jnp.inf, jnp.float32)
        l_s[...] = jnp.zeros((G, 1), jnp.float32)
        acc_s[...] = jnp.zeros((G, D), jnp.float32)

    x = x_ref[...]
    gwt = gwt_ref[...]
    gate = jax.lax.dot_general(
        gwt, x, (((1,), (1,)), ((), ())),
        preferred_element_type=jnp.float32) + gb_ref[0, 0]
    gate_out_ref[...] = gate[None]
    seg = seg_ref[0]

    sids = jax.lax.broadcasted_iota(jnp.int32, (G, 1), 0)
    onehot = seg == sids

    bm = jnp.max(jnp.where(onehot, gate, -jnp.inf), axis=1, keepdims=True)
    m_old = m_s[...]
    m_new = jnp.maximum(m_old, bm)
    scale = jnp.where(m_new == m_old, 1.0, jnp.exp(m_old - m_new))
    m_row = jnp.sum(jnp.where(onehot, m_new, 0.0), axis=0, keepdims=True)
    p = jnp.exp(gate - m_row)
    w = jnp.where(onehot, p, 0.0)
    l_s[...] = l_s[...] * scale + jnp.sum(w, axis=1, keepdims=True)
    acc_s[...] = acc_s[...] * scale + jax.lax.dot_general(
        w, x, (((1,), (0,)), ((), ())), preferred_element_type=jnp.float32,
        precision=jax.lax.Precision.HIGHEST)
    m_s[...] = m_new

    @pl.when(i == NBLK - 1)
    def _fin():
        l = l_s[...]
        graph_x = acc_s[...] / jnp.where(l > 0, l, 1.0)
        h = jax.lax.dot_general(
            graph_x, w1_ref[...], (((1,), (0,)), ((), ())),
            preferred_element_type=jnp.float32) + b1_ref[...]
        h = jax.nn.gelu(h)
        o = jax.lax.dot_general(
            h, w2_ref[...], (((1,), (0,)), ((), ())),
            preferred_element_type=jnp.float32) + b2_ref[0, 0]
        out_ref[...] = o
        c_out_ref[...] = m_s[...] + jnp.log(jnp.where(l > 0, l, 1.0))


def _sc_body(gate_hbm, seg_hbm, c_hbm, cv_hbm, ci_hbm,
             gate_v, seg_v, c_v, outv_v, outi_v):
    wid = lax.axis_index("s") * 2 + lax.axis_index("c")
    base = jnp.minimum(wid * SHARD, N - SHARD)

    pltpu.sync_copy(c_hbm, c_v)
    pltpu.sync_copy(gate_hbm.at[pl.ds(base, SHARD)], gate_v)
    pltpu.sync_copy(seg_hbm.at[pl.ds(base, SHARD)], seg_v)

    lane = lax.iota(jnp.int32, 16)
    neg = jnp.full((16,), -jnp.inf, jnp.float32)
    zero = jnp.zeros((16,), jnp.int32)
    carry = [neg, zero] * POOL

    cvec = c_v[pl.ds(0, 16)]

    def chunk(j, carry):
        g = gate_v[pl.ds(j * 16, 16)]
        s = seg_v[pl.ds(j * 16, 16)]
        v = g - cvec[s]
        ix = lane + (base + j * 16)
        new = []
        for k in range(POOL):
            tk, uk = carry[2 * k], carry[2 * k + 1]
            m = v > tk
            ntk = jnp.where(m, v, tk)
            nuk = jnp.where(m, ix, uk)
            v = jnp.where(m, tk, v)
            ix = jnp.where(m, uk, ix)
            new.append(ntk)
            new.append(nuk)
        return new

    carry = lax.fori_loop(0, NCHUNK, chunk, carry)
    for k in range(POOL):
        outv_v[pl.ds(k * 16, 16)] = carry[2 * k]
        outi_v[pl.ds(k * 16, 16)] = carry[2 * k + 1]
    pltpu.sync_copy(outv_v, cv_hbm.at[wid])
    pltpu.sync_copy(outi_v, ci_hbm.at[wid])


_sc_topk_candidates = pl.kernel(
    _sc_body,
    mesh=plsc.VectorSubcoreMesh(core_axis_name="c", subcore_axis_name="s"),
    out_type=[
        jax.ShapeDtypeStruct((NW, POOL * 16), jnp.float32),
        jax.ShapeDtypeStruct((NW, POOL * 16), jnp.int32),
    ],
    scratch_types=[
        pltpu.VMEM((SHARD,), jnp.float32),
        pltpu.VMEM((SHARD,), jnp.int32),
        pltpu.VMEM((G,), jnp.float32),
        pltpu.VMEM((POOL * 16,), jnp.float32),
        pltpu.VMEM((POOL * 16,), jnp.int32),
    ],
)


def _merge_body(cv_ref, ci_ref, vals_ref, idx_ref):
    ia = ci_ref[...]
    big = jnp.int32(2**30)

    def body(k, vv):
        mx = jnp.max(vv)
        cand = jnp.where(vv == mx, ia, big)
        ix = jnp.min(cand)
        vals_ref[pl.ds(k, 1), :] = jnp.exp(mx).reshape(1, 1)
        idx_ref[pl.ds(k, 1), :] = ix.reshape(1, 1)
        return jnp.where(ia == ix, -jnp.inf, vv)

    lax.fori_loop(0, TOPK, body, cv_ref[...])


@functools.partial(jax.jit, static_argnames=("interpret",))
def kernel(x, segment_ids, gate_W, gate_b, W1, b1, W2, b2, interpret=False):
    seg3 = segment_ids.reshape(NBLK, 1, BLK)
    gwt = gate_W.reshape(1, D)
    gb = gate_b.reshape(1, 1)
    b1r = b1.reshape(1, D)
    b2r = b2.reshape(1, 1)

    gate_out, out, c = pl.pallas_call(
        _pass1_body,
        grid=(NBLK,),
        in_specs=[
            pl.BlockSpec((1, 1, BLK), lambda i: (i, 0, 0)),
            pl.BlockSpec((BLK, D), lambda i: (i, 0)),
            pl.BlockSpec((1, D), lambda i: (0, 0)),
            pl.BlockSpec((1, 1), lambda i: (0, 0)),
            pl.BlockSpec((D, D), lambda i: (0, 0)),
            pl.BlockSpec((1, D), lambda i: (0, 0)),
            pl.BlockSpec((D, 1), lambda i: (0, 0)),
            pl.BlockSpec((1, 1), lambda i: (0, 0)),
        ],
        out_specs=[
            pl.BlockSpec((1, 1, BLK), lambda i: (i, 0, 0)),
            pl.BlockSpec((G, 1), lambda i: (0, 0)),
            pl.BlockSpec((G, 1), lambda i: (0, 0)),
        ],
        out_shape=[
            jax.ShapeDtypeStruct((NBLK, 1, BLK), jnp.float32),
            jax.ShapeDtypeStruct((G, 1), jnp.float32),
            jax.ShapeDtypeStruct((G, 1), jnp.float32),
        ],
        scratch_shapes=[
            pltpu.VMEM((G, 1), jnp.float32),
            pltpu.VMEM((G, 1), jnp.float32),
            pltpu.VMEM((G, D), jnp.float32),
        ],
        interpret=interpret,
    )(seg3, x, gwt, gb, W1, b1r, W2, b2r)

    cand_v, cand_i = _sc_topk_candidates(
        gate_out.reshape(N), segment_ids, c.reshape(G))

    vals, idx = pl.pallas_call(
        _merge_body,
        out_shape=[
            jax.ShapeDtypeStruct((TOPK, 1), jnp.float32),
            jax.ShapeDtypeStruct((TOPK, 1), jnp.int32),
        ],
        interpret=interpret,
    )(cand_v, cand_i)

    return out, vals.reshape(TOPK), idx.reshape(TOPK)

# --- scband reference (transcript-rebuilt; emitter-appended) ---
"""Pipeline reference for scband-regressor-60086592471063 (READ-ONLY COPY).

The authoritative reference and input builder live on the scoring server;
editing this copy changes nothing except your own understanding.
"""

import jax, jax.numpy as jnp
import numpy as np

N_NODES = 100000
EMBED_DIM = 128
NUM_GRAPHS = 16
TOP_K = 64


def setup_inputs(seed: int = 0) -> dict:
    key = jax.random.key(seed)
    ks = jax.random.split(key, 8)
    x = jax.random.normal(ks[0], (N_NODES, EMBED_DIM), dtype=jnp.float32)
    segment_ids = jnp.sort(jax.random.randint(ks[1], (N_NODES,), 0, NUM_GRAPHS))
    s = 1.0 / np.sqrt(EMBED_DIM)
    gate_W = jax.random.normal(ks[2], (EMBED_DIM, 1), dtype=jnp.float32) * s
    gate_b = jnp.zeros((1,), dtype=jnp.float32)
    W1 = jax.random.normal(ks[3], (EMBED_DIM, EMBED_DIM), dtype=jnp.float32) * s
    b1 = jnp.zeros((EMBED_DIM,), dtype=jnp.float32)
    W2 = jax.random.normal(ks[4], (EMBED_DIM, 1), dtype=jnp.float32) * s
    b2 = jnp.zeros((1,), dtype=jnp.float32)
    return {"x": x, "segment_ids": segment_ids, "gate_W": gate_W, "gate_b": gate_b,
            "W1": W1, "b1": b1, "W2": W2, "b2": b2}


def reference(x, segment_ids, gate_W, gate_b, W1, b1, W2, b2):
    # GlobalAttentionPooling: gate = Linear(x) -> segment softmax -> weighted segment sum
    gate = (x @ gate_W + gate_b)[:, 0]                                   # [N]
    seg_max = jax.ops.segment_max(gate, segment_ids, num_segments=NUM_GRAPHS)
    gate_exp = jnp.exp(gate - seg_max[segment_ids])
    denom = jax.ops.segment_sum(gate_exp, segment_ids, num_segments=NUM_GRAPHS)
    attn = gate_exp / denom[segment_ids]                                  # [N] attention weights (squeezed)
    graph_x = jax.ops.segment_sum(x * attn[:, None], segment_ids, num_segments=NUM_GRAPHS)  # [B, d]
    # regressor head: Linear -> GELU -> Linear
    h = jax.nn.gelu(graph_x @ W1 + b1)
    out = h @ W2 + b2                                                     # [B, 1]
    # torch.topk(attention_weights.squeeze(), top_k) over all nodes
    top_k_weights, top_k_indices = jax.lax.top_k(attn, TOP_K)
    return out, top_k_weights, top_k_indices

if __name__ == "__main__":
    import jax
    _d = setup_inputs()
    print(jax.jit(kernel)(*tuple(_d.values())))

</pallas_src>

<mosaic_0001>
#map = affine_map<(d0, d1) -> (0)>
#map1 = affine_map<(d0, d1) -> (0, 0)>
module attributes {stable_mosaic.version = 14 : i64} {
  func.func @_sc_body(%arg0: i32, %arg1: i32, %arg2: memref<100000xf32, #tpu.memory_space<hbm>>, %arg3: memref<100000xi32, #tpu.memory_space<hbm>>, %arg4: memref<16xf32, #tpu.memory_space<hbm>>, %arg5: memref<32x128xf32, #tpu.memory_space<hbm>>, %arg6: memref<32x128xi32, #tpu.memory_space<hbm>>, %arg7: memref<3136xf32, #tpu.memory_space<vmem>>, %arg8: memref<3136xi32, #tpu.memory_space<vmem>>, %arg9: memref<16xf32, #tpu.memory_space<vmem>>, %arg10: memref<128xf32, #tpu.memory_space<vmem>>, %arg11: memref<128xi32, #tpu.memory_space<vmem>>) attributes {dimension_semantics = [#tpu.dimension_semantics<core_parallel>, #tpu.dimension_semantics<subcore_parallel>], iteration_bounds = array<i64: 2, 16>, scalar_prefetch = 0 : i64, scratch_operands = 5 : i64, tpu.core_type = #tpu.core_type<sc_vector_subcore>, window_params = [{transform_indices = #map}, {transform_indices = #map}, {transform_indices = #map}, {transform_indices = #map1}, {transform_indices = #map1}]} {
    %mul3A = arith.constant 2 : i32
    %mul3A_0 = arith.muli %arg1, %mul3A : i32
    %add3A = arith.addi %mul3A_0, %arg0 : i32
    %mul3A_1 = arith.constant 3136 : i32
    %mul3A_2 = arith.muli %add3A, %mul3A_1 : i32
    %min3A = arith.constant 96864 : i32
    %min3A_3 = arith.minsi %mul3A_2, %min3A : i32
    "tpu.region"() ({
      %run_scoped3A = tpu.sem_alloc : memref<!tpu.dma_semaphore, #tpu.memory_space<semaphore_mem>>
      tpu.enqueue_dma source(%arg4 : memref<16xf32, #tpu.memory_space<hbm>>) target(%arg9 : memref<16xf32, #tpu.memory_space<vmem>>) target_semaphore(%run_scoped3A : memref<!tpu.dma_semaphore, #tpu.memory_space<semaphore_mem>>)
      tpu.wait_dma2 semaphore(%run_scoped3A : memref<!tpu.dma_semaphore, #tpu.memory_space<semaphore_mem>>) src(%arg4 : memref<16xf32, #tpu.memory_space<hbm>>) dst(%arg9 : memref<16xf32, #tpu.memory_space<vmem>>)
      tpu.yield
    }) : () -> ()
    "tpu.region"() ({
      %run_scoped3A = tpu.sem_alloc : memref<!tpu.dma_semaphore, #tpu.memory_space<semaphore_mem>>
      %dma_start3A = tpu.memref_slice %arg2[%min3A_3] : memref<100000xf32, #tpu.memory_space<hbm>> -> memref<3136xf32, #tpu.memory_space<hbm>>
      %dma_start3A_77 = tpu.memref_slice %arg2[%min3A_3] : memref<100000xf32, #tpu.memory_space<hbm>> -> memref<3136xf32, #tpu.memory_space<hbm>>
      tpu.enqueue_dma source(%dma_start3A_77 : memref<3136xf32, #tpu.memory_space<hbm>>) target(%arg7 : memref<3136xf32, #tpu.memory_space<vmem>>) target_semaphore(%run_scoped3A : memref<!tpu.dma_semaphore, #tpu.memory_space<semaphore_mem>>)
      %dma_wait3A = tpu.memref_slice %arg2[%min3A_3] : memref<100000xf32, #tpu.memory_space<hbm>> -> memref<3136xf32, #tpu.memory_space<hbm>>
      %dma_wait3A_78 = tpu.memref_slice %arg2[%min3A_3] : memref<100000xf32, #tpu.memory_space<hbm>> -> memref<3136xf32, #tpu.memory_space<hbm>>
      tpu.wait_dma2 semaphore(%run_scoped3A : memref<!tpu.dma_semaphore, #tpu.memory_space<semaphore_mem>>) src(%dma_wait3A_78 : memref<3136xf32, #tpu.memory_space<hbm>>) dst(%arg7 : memref<3136xf32, #tpu.memory_space<vmem>>)
      tpu.yield
    }) : () -> ()
    "tpu.region"() ({
      %run_scoped3A = tpu.sem_alloc : memref<!tpu.dma_semaphore, #tpu.memory_space<semaphore_mem>>
      %dma_start3A = tpu.memref_slice %arg3[%min3A_3] : memref<100000xi32, #tpu.memory_space<hbm>> -> memref<3136xi32, #tpu.memory_space<hbm>>
      %dma_start3A_77 = tpu.memref_slice %arg3[%min3A_3] : memref<100000xi32, #tpu.memory_space<hbm>> -> memref<3136xi32, #tpu.memory_space<hbm>>
      tpu.enqueue_dma source(%dma_start3A_77 : memref<3136xi32, #tpu.memory_space<hbm>>) target(%arg8 : memref<3136xi32, #tpu.memory_space<vmem>>) target_semaphore(%run_scoped3A : memref<!tpu.dma_semaphore, #tpu.memory_space<semaphore_mem>>)
      %dma_wait3A = tpu.memref_slice %arg3[%min3A_3] : memref<100000xi32, #tpu.memory_space<hbm>> -> memref<3136xi32, #tpu.memory_space<hbm>>
      %dma_wait3A_78 = tpu.memref_slice %arg3[%min3A_3] : memref<100000xi32, #tpu.memory_space<hbm>> -> memref<3136xi32, #tpu.memory_space<hbm>>
      tpu.wait_dma2 semaphore(%run_scoped3A : memref<!tpu.dma_semaphore, #tpu.memory_space<semaphore_mem>>) src(%dma_wait3A_78 : memref<3136xi32, #tpu.memory_space<hbm>>) dst(%arg8 : memref<3136xi32, #tpu.memory_space<vmem>>)
      tpu.yield
    }) : () -> ()
    %iota3A = tpu.iota {dimensions = array<i32: 0>} : vector<16xi32>
    %broadcast_in_dim3A = arith.constant 0xFF800000 : f32
    %broadcast_in_dim3A_4 = vector.broadcast %broadcast_in_dim3A : f32 to vector<16xf32>
    %broadcast_in_dim3A_5 = arith.constant 0 : i32
    %broadcast_in_dim3A_6 = vector.broadcast %broadcast_in_dim3A_5 : i32 to vector<16xi32>
    %get3A = arith.constant 0 : index
    %get3A_7 = tpu.vector_load %arg9[%get3A] {strides = array<i32>} : memref<16xf32, #tpu.memory_space<vmem>>, vector<16xf32>,
    %get3A_8 = vector.shape_cast %get3A_7 : vector<16xf32> to vector<16xf32>
    %scan3A = arith.constant 0 : i32
    %scan3A_9 = arith.constant 196 : i32
    %scan3A_10 = arith.addi %scan3A, %scan3A_9 : i32
    %scan3A_11 = arith.constant 1 : i32
    %scan3A_12:16 = scf.for %scan3A_77 = %scan3A to %scan3A_10 step %scan3A_11 iter_args(%scan3A_78 = %broadcast_in_dim3A_4, %scan3A_79 = %broadcast_in_dim3A_6, %scan3A_80 = %broadcast_in_dim3A_4, %scan3A_81 = %broadcast_in_dim3A_6, %scan3A_82 = %broadcast_in_dim3A_4, %scan3A_83 = %broadcast_in_dim3A_6, %scan3A_84 = %broadcast_in_dim3A_4, %scan3A_85 = %broadcast_in_dim3A_6, %scan3A_86 = %broadcast_in_dim3A_4, %scan3A_87 = %broadcast_in_dim3A_6, %scan3A_88 = %broadcast_in_dim3A_4, %scan3A_89 = %broadcast_in_dim3A_6, %scan3A_90 = %broadcast_in_dim3A_4, %scan3A_91 = %broadcast_in_dim3A_6, %scan3A_92 = %broadcast_in_dim3A_4, %scan3A_93 = %broadcast_in_dim3A_6) -> (vector<16xf32>, vector<16xi32>, vector<16xf32>, vector<16xi32>, vector<16xf32>, vector<16xi32>, vector<16xf32>, vector<16xi32>, vector<16xf32>, vector<16xi32>, vector<16xf32>, vector<16xi32>, vector<16xf32>, vector<16xi32>, vector<16xf32>, vector<16xi32>)  : i32 {
      %mul3A_94 = arith.constant 16 : i32
      %mul3A_95 = arith.muli %scan3A_77, %mul3A_94 : i32
      %get3A_96 = arith.index_cast %mul3A_95 : i32 to index
      %get3A_97 = tpu.vector_load %arg7[%get3A_96] {strides = array<i32>} : memref<3136xf32, #tpu.memory_space<vmem>>, vector<16xf32>,
      %get3A_98 = vector.shape_cast %get3A_97 : vector<16xf32> to vector<16xf32>
      %mul3A_99 = arith.constant 16 : i32
      %mul3A_100 = arith.muli %scan3A_77, %mul3A_99 : i32
      %get3A_101 = arith.index_cast %mul3A_100 : i32 to index
      %get3A_102 = tpu.vector_load %arg8[%get3A_101] {strides = array<i32>} : memref<3136xi32, #tpu.memory_space<vmem>>, vector<16xi32>,
      %get3A_103 = vector.shape_cast %get3A_102 : vector<16xi32> to vector<16xi32>
      %lt3A = arith.constant 0 : i32
      %lt3A_104 = vector.broadcast %lt3A : i32 to vector<16xi32>
      %lt3A_105 = arith.cmpi slt, %get3A_103, %lt3A_104 : vector<16xi32>
      %add3A_106 = arith.constant 16 : i32
      %add3A_107 = vector.broadcast %add3A_106 : i32 to vector<16xi32>
      %add3A_108 = arith.addi %get3A_103, %add3A_107 : vector<16xi32>
      %select_n3A = arith.select %lt3A_105, %add3A_108, %get3A_103 : vector<16xi1>, vector<16xi32>
      %broadcast_in_dim3A_109 = vector.shape_cast %select_n3A : vector<16xi32> to vector<16x1xi32>
      %gather3A = vector.shape_cast %broadcast_in_dim3A_109 : vector<16x1xi32> to vector<16xi32>
      %gather3A_110 = tpu.dynamic_gather %get3A_8[%gather3A] in [0] : vector<16xf32>, vector<16xi32> -> vector<16xf32>
      %sub3A = arith.subf %get3A_98, %gather3A_110 : vector<16xf32>
      %mul3A_111 = arith.constant 16 : i32
      %mul3A_112 = arith.muli %scan3A_77, %mul3A_111 : i32
      %add3A_113 = arith.addi %min3A_3, %mul3A_112 : i32
      %add3A_114 = vector.broadcast %add3A_113 : i32 to vector<16xi32>
      %add3A_115 = arith.addi %iota3A, %add3A_114 : vector<16xi32>
      %gt3A = arith.cmpf ogt, %sub3A, %scan3A_78 : vector<16xf32>
      %select_n3A_116 = arith.select %gt3A, %sub3A, %scan3A_78 : vector<16xi1>, vector<16xf32>
      %select_n3A_117 = arith.select %gt3A, %add3A_115, %scan3A_79 : vector<16xi1>, vector<16xi32>
      %select_n3A_118 = arith.select %gt3A, %scan3A_78, %sub3A : vector<16xi1>, vector<16xf32>
      %select_n3A_119 = arith.select %gt3A, %scan3A_79, %add3A_115 : vector<16xi1>, vector<16xi32>
      %gt3A_120 = arith.cmpf ogt, %select_n3A_118, %scan3A_80 : vector<16xf32>
      %select_n3A_121 = arith.select %gt3A_120, %select_n3A_118, %scan3A_80 : vector<16xi1>, vector<16xf32>
      %select_n3A_122 = arith.select %gt3A_120, %select_n3A_119, %scan3A_81 : vector<16xi1>, vector<16xi32>
      %select_n3A_123 = arith.select %gt3A_120, %scan3A_80, %select_n3A_118 : vector<16xi1>, vector<16xf32>
      %select_n3A_124 = arith.select %gt3A_120, %scan3A_81, %select_n3A_119 : vector<16xi1>, vector<16xi32>
      %gt3A_125 = arith.cmpf ogt, %select_n3A_123, %scan3A_82 : vector<16xf32>
      %select_n3A_126 = arith.select %gt3A_125, %select_n3A_123, %scan3A_82 : vector<16xi1>, vector<16xf32>
      %select_n3A_127 = arith.select %gt3A_125, %select_n3A_124, %scan3A_83 : vector<16xi1>, vector<16xi32>
      %select_n3A_128 = arith.select %gt3A_125, %scan3A_82, %select_n3A_123 : vector<16xi1>, vector<16xf32>
      %select_n3A_129 = arith.select %gt3A_125, %scan3A_83, %select_n3A_124 : vector<16xi1>, vector<16xi32>
      %gt3A_130 = arith.cmpf ogt, %select_n3A_128, %scan3A_84 : vector<16xf32>
      %select_n3A_131 = arith.select %gt3A_130, %select_n3A_128, %scan3A_84 : vector<16xi1>, vector<16xf32>
      %select_n3A_132 = arith.select %gt3A_130, %select_n3A_129, %scan3A_85 : vector<16xi1>, vector<16xi32>
      %select_n3A_133 = arith.select %gt3A_130, %scan3A_84, %select_n3A_128 : vector<16xi1>, vector<16xf32>
      %select_n3A_134 = arith.select %gt3A_130, %scan3A_85, %select_n3A_129 : vector<16xi1>, vector<16xi32>
      %gt3A_135 = arith.cmpf ogt, %select_n3A_133, %scan3A_86 : vector<16xf32>
      %select_n3A_136 = arith.select %gt3A_135, %select_n3A_133, %scan3A_86 : vector<16xi1>, vector<16xf32>
      %select_n3A_137 = arith.select %gt3A_135, %select_n3A_134, %scan3A_87 : vector<16xi1>, vector<16xi32>
      %select_n3A_138 = arith.select %gt3A_135, %scan3A_86, %select_n3A_133 : vector<16xi1>, vector<16xf32>
      %select_n3A_139 = arith.select %gt3A_135, %scan3A_87, %select_n3A_134 : vector<16xi1>, vector<16xi32>
      %gt3A_140 = arith.cmpf ogt, %select_n3A_138, %scan3A_88 : vector<16xf32>
      %select_n3A_141 = arith.select %gt3A_140, %select_n3A_138, %scan3A_88 : vector<16xi1>, vector<16xf32>
      %select_n3A_142 = arith.select %gt3A_140, %select_n3A_139, %scan3A_89 : vector<16xi1>, vector<16xi32>
      %select_n3A_143 = arith.select %gt3A_140, %scan3A_88, %select_n3A_138 : vector<16xi1>, vector<16xf32>
      %select_n3A_144 = arith.select %gt3A_140, %scan3A_89, %select_n3A_139 : vector<16xi1>, vector<16xi32>
      %gt3A_145 = arith.cmpf ogt, %select_n3A_143, %scan3A_90 : vector<16xf32>
      %select_n3A_146 = arith.select %gt3A_145, %select_n3A_143, %scan3A_90 : vector<16xi1>, vector<16xf32>
      %select_n3A_147 = arith.select %gt3A_145, %select_n3A_144, %scan3A_91 : vector<16xi1>, vector<16xi32>
      %select_n3A_148 = arith.select %gt3A_145, %scan3A_90, %select_n3A_143 : vector<16xi1>, vector<16xf32>
      %select_n3A_149 = arith.select %gt3A_145, %scan3A_91, %select_n3A_144 : vector<16xi1>, vector<16xi32>
      %gt3A_150 = arith.cmpf ogt, %select_n3A_148, %scan3A_92 : vector<16xf32>
      %select_n3A_151 = arith.select %gt3A_150, %select_n3A_148, %scan3A_92 : vector<16xi1>, vector<16xf32>
      %select_n3A_152 = arith.select %gt3A_150, %select_n3A_149, %scan3A_93 : vector<16xi1>, vector<16xi32>
      %select_n3A_153 = arith.select %gt3A_150, %scan3A_92, %select_n3A_148 : vector<16xi1>, vector<16xf32>
      %select_n3A_154 = arith.select %gt3A_150, %scan3A_93, %select_n3A_149 : vector<16xi1>, vector<16xi32>
      scf.yield %select_n3A_116, %select_n3A_117, %select_n3A_121, %select_n3A_122, %select_n3A_126, %select_n3A_127, %select_n3A_131, %select_n3A_132, %select_n3A_136, %select_n3A_137, %select_n3A_141, %select_n3A_142, %select_n3A_146, %select_n3A_147, %select_n3A_151, %select_n3A_152 : vector<16xf32>, vector<16xi32>, vector<16xf32>, vector<16xi32>, vector<16xf32>, vector<16xi32>, vector<16xf32>, vector<16xi32>, vector<16xf32>, vector<16xi32>, vector<16xf32>, vector<16xi32>, vector<16xf32>, vector<16xi32>, vector<16xf32>, vector<16xi32>
    }
    %scan3A_13 = arith.constant 196 : i32
    %swap3A = arith.constant 0 : index
    %swap3A_14 = tpu.vector_load %arg10[%swap3A] {strides = array<i32>} : memref<128xf32, #tpu.memory_space<vmem>>, vector<16xf32>,
    %swap3A_15 = vector.shape_cast %swap3A_14 : vector<16xf32> to vector<16xf32>
    %swap3A_16 = vector.shape_cast %scan3A_12#0 : vector<16xf32> to vector<16xf32>
    tpu.vector_store %arg10[%swap3A], %swap3A_16 {strides = array<i32>} : memref<128xf32, #tpu.memory_space<vmem>>, vector<16xf32>,
    %swap3A_17 = arith.constant 0 : index
    %swap3A_18 = tpu.vector_load %arg11[%swap3A_17] {strides = array<i32>} : memref<128xi32, #tpu.memory_space<vmem>>, vector<16xi32>,
    %swap3A_19 = vector.shape_cast %swap3A_18 : vector<16xi32> to vector<16xi32>
    %swap3A_20 = vector.shape_cast %scan3A_12#1 : vector<16xi32> to vector<16xi32>
    tpu.vector_store %arg11[%swap3A_17], %swap3A_20 {strides = array<i32>} : memref<128xi32, #tpu.memory_space<vmem>>, vector<16xi32>,
    %swap3A_21 = arith.constant 16 : index
    %swap3A_22 = tpu.vector_load %arg10[%swap3A_21] {strides = array<i32>} : memref<128xf32, #tpu.memory_space<vmem>>, vector<16xf32>,
    %swap3A_23 = vector.shape_cast %swap3A_22 : vector<16xf32> to vector<16xf32>
    %swap3A_24 = vector.shape_cast %scan3A_12#2 : vector<16xf32> to vector<16xf32>
    tpu.vector_store %arg10[%swap3A_21], %swap3A_24 {strides = array<i32>} : memref<128xf32, #tpu.memory_space<vmem>>, vector<16xf32>,
    %swap3A_25 = arith.constant 16 : index
    %swap3A_26 = tpu.vector_load %arg11[%swap3A_25] {strides = array<i32>} : memref<128xi32, #tpu.memory_space<vmem>>, vector<16xi32>,
    %swap3A_27 = vector.shape_cast %swap3A_26 : vector<16xi32> to vector<16xi32>
    %swap3A_28 = vector.shape_cast %scan3A_12#3 : vector<16xi32> to vector<16xi32>
    tpu.vector_store %arg11[%swap3A_25], %swap3A_28 {strides = array<i32>} : memref<128xi32, #tpu.memory_space<vmem>>, vector<16xi32>,
    %swap3A_29 = arith.constant 32 : index
    %swap3A_30 = tpu.vector_load %arg10[%swap3A_29] {strides = array<i32>} : memref<128xf32, #tpu.memory_space<vmem>>, vector<16xf32>,
    %swap3A_31 = vector.shape_cast %swap3A_30 : vector<16xf32> to vector<16xf32>
    %swap3A_32 = vector.shape_cast %scan3A_12#4 : vector<16xf32> to vector<16xf32>
    tpu.vector_store %arg10[%swap3A_29], %swap3A_32 {strides = array<i32>} : memref<128xf32, #tpu.memory_space<vmem>>, vector<16xf32>,
    %swap3A_33 = arith.constant 32 : index
    %swap3A_34 = tpu.vector_load %arg11[%swap3A_33] {strides = array<i32>} : memref<128xi32, #tpu.memory_space<vmem>>, vector<16xi32>,
    %swap3A_35 = vector.shape_cast %swap3A_34 : vector<16xi32> to vector<16xi32>
    %swap3A_36 = vector.shape_cast %scan3A_12#5 : vector<16xi32> to vector<16xi32>
    tpu.vector_store %arg11[%swap3A_33], %swap3A_36 {strides = array<i32>} : memref<128xi32, #tpu.memory_space<vmem>>, vector<16xi32>,
    %swap3A_37 = arith.constant 48 : index
    %swap3A_38 = tpu.vector_load %arg10[%swap3A_37] {strides = array<i32>} : memref<128xf32, #tpu.memory_space<vmem>>, vector<16xf32>,
    %swap3A_39 = vector.shape_cast %swap3A_38 : vector<16xf32> to vector<16xf32>
    %swap3A_40 = vector.shape_cast %scan3A_12#6 : vector<16xf32> to vector<16xf32>
    tpu.vector_store %arg10[%swap3A_37], %swap3A_40 {strides = array<i32>} : memref<128xf32, #tpu.memory_space<vmem>>, vector<16xf32>,
    %swap3A_41 = arith.constant 48 : index
    %swap3A_42 = tpu.vector_load %arg11[%swap3A_41] {strides = array<i32>} : memref<128xi32, #tpu.memory_space<vmem>>, vector<16xi32>,
    %swap3A_43 = vector.shape_cast %swap3A_42 : vector<16xi32> to vector<16xi32>
    %swap3A_44 = vector.shape_cast %scan3A_12#7 : vector<16xi32> to vector<16xi32>
    tpu.vector_store %arg11[%swap3A_41], %swap3A_44 {strides = array<i32>} : memref<128xi32, #tpu.memory_space<vmem>>, vector<16xi32>,
    %swap3A_45 = arith.constant 64 : index
    %swap3A_46 = tpu.vector_load %arg10[%swap3A_45] {strides = array<i32>} : memref<128xf32, #tpu.memory_space<vmem>>, vector<16xf32>,
    %swap3A_47 = vector.shape_cast %swap3A_46 : vector<16xf32> to vector<16xf32>
    %swap3A_48 = vector.shape_cast %scan3A_12#8 : vector<16xf32> to vector<16xf32>
    tpu.vector_store %arg10[%swap3A_45], %swap3A_48 {strides = array<i32>} : memref<128xf32, #tpu.memory_space<vmem>>, vector<16xf32>,
    %swap3A_49 = arith.constant 64 : index
    %swap3A_50 = tpu.vector_load %arg11[%swap3A_49] {strides = array<i32>} : memref<128xi32, #tpu.memory_space<vmem>>, vector<16xi32>,
    %swap3A_51 = vector.shape_cast %swap3A_50 : vector<16xi32> to vector<16xi32>
    %swap3A_52 = vector.shape_cast %scan3A_12#9 : vector<16xi32> to vector<16xi32>
    tpu.vector_store %arg11[%swap3A_49], %swap3A_52 {strides = array<i32>} : memref<128xi32, #tpu.memory_space<vmem>>, vector<16xi32>,
    %swap3A_53 = arith.constant 80 : index
    %swap3A_54 = tpu.vector_load %arg10[%swap3A_53] {strides = array<i32>} : memref<128xf32, #tpu.memory_space<vmem>>, vector<16xf32>,
    %swap3A_55 = vector.shape_cast %swap3A_54 : vector<16xf32> to vector<16xf32>
    %swap3A_56 = vector.shape_cast %scan3A_12#10 : vector<16xf32> to vector<16xf32>
    tpu.vector_store %arg10[%swap3A_53], %swap3A_56 {strides = array<i32>} : memref<128xf32, #tpu.memory_space<vmem>>, vector<16xf32>,
    %swap3A_57 = arith.constant 80 : index
    %swap3A_58 = tpu.vector_load %arg11[%swap3A_57] {strides = array<i32>} : memref<128xi32, #tpu.memory_space<vmem>>, vector<16xi32>,
    %swap3A_59 = vector.shape_cast %swap3A_58 : vector<16xi32> to vector<16xi32>
    %swap3A_60 = vector.shape_cast %scan3A_12#11 : vector<16xi32> to vector<16xi32>
    tpu.vector_store %arg11[%swap3A_57], %swap3A_60 {strides = array<i32>} : memref<128xi32, #tpu.memory_space<vmem>>, vector<16xi32>,
    %swap3A_61 = arith.constant 96 : index
    %swap3A_62 = tpu.vector_load %arg10[%swap3A_61] {strides = array<i32>} : memref<128xf32, #tpu.memory_space<vmem>>, vector<16xf32>,
    %swap3A_63 = vector.shape_cast %swap3A_62 : vector<16xf32> to vector<16xf32>
    %swap3A_64 = vector.shape_cast %scan3A_12#12 : vector<16xf32> to vector<16xf32>
    tpu.vector_store %arg10[%swap3A_61], %swap3A_64 {strides = array<i32>} : memref<128xf32, #tpu.memory_space<vmem>>, vector<16xf32>,
    %swap3A_65 = arith.constant 96 : index
    %swap3A_66 = tpu.vector_load %arg11[%swap3A_65] {strides = array<i32>} : memref<128xi32, #tpu.memory_space<vmem>>, vector<16xi32>,
    %swap3A_67 = vector.shape_cast %swap3A_66 : vector<16xi32> to vector<16xi32>
    %swap3A_68 = vector.shape_cast %scan3A_12#13 : vector<16xi32> to vector<16xi32>
    tpu.vector_store %arg11[%swap3A_65], %swap3A_68 {strides = array<i32>} : memref<128xi32, #tpu.memory_space<vmem>>, vector<16xi32>,
    %swap3A_69 = arith.constant 112 : index
    %swap3A_70 = tpu.vector_load %arg10[%swap3A_69] {strides = array<i32>} : memref<128xf32, #tpu.memory_space<vmem>>, vector<16xf32>,
    %swap3A_71 = vector.shape_cast %swap3A_70 : vector<16xf32> to vector<16xf32>
    %swap3A_72 = vector.shape_cast %scan3A_12#14 : vector<16xf32> to vector<16xf32>
    tpu.vector_store %arg10[%swap3A_69], %swap3A_72 {strides = array<i32>} : memref<128xf32, #tpu.memory_space<vmem>>, vector<16xf32>,
    %swap3A_73 = arith.constant 112 : index
    %swap3A_74 = tpu.vector_load %arg11[%swap3A_73] {strides = array<i32>} : memref<128xi32, #tpu.memory_space<vmem>>, vector<16xi32>,
    %swap3A_75 = vector.shape_cast %swap3A_74 : vector<16xi32> to vector<16xi32>
    %swap3A_76 = vector.shape_cast %scan3A_12#15 : vector<16xi32> to vector<16xi32>
    tpu.vector_store %arg11[%swap3A_73], %swap3A_76 {strides = array<i32>} : memref<128xi32, #tpu.memory_space<vmem>>, vector<16xi32>,
    "tpu.region"() ({
      %run_scoped3A = tpu.sem_alloc : memref<!tpu.dma_semaphore, #tpu.memory_space<semaphore_mem>>
      %dma_start3A = arith.constant 0 : i32
      %dma_start3A_77 = tpu.memref_slice %arg5[%add3A, %dma_start3A] : memref<32x128xf32, #tpu.memory_space<hbm>> -> memref<1x128xf32, #tpu.memory_space<hbm>>
      %dma_start3A_78 = tpu.memref_squeeze %dma_start3A_77 : memref<1x128xf32, #tpu.memory_space<hbm>> -> memref<128xf32, #tpu.memory_space<hbm>>
      %dma_start3A_79 = arith.constant 0 : i32
      %dma_start3A_80 = tpu.memref_slice %arg5[%add3A, %dma_start3A_79] : memref<32x128xf32, #tpu.memory_space<hbm>> -> memref<1x128xf32, #tpu.memory_space<hbm>>
      %dma_start3A_81 = tpu.memref_squeeze %dma_start3A_80 : memref<1x128xf32, #tpu.memory_space<hbm>> -> memref<128xf32, #tpu.memory_space<hbm>>
      tpu.enqueue_dma source(%arg10 : memref<128xf32, #tpu.memory_space<vmem>>) target(%dma_start3A_81 : memref<128xf32, #tpu.memory_space<hbm>>) target_semaphore(%run_scoped3A : memref<!tpu.dma_semaphore, #tpu.memory_space<semaphore_mem>>)
      %dma_wait3A = arith.constant 0 : i32
      %dma_wait3A_82 = tpu.memref_slice %arg5[%add3A, %dma_wait3A] : memref<32x128xf32, #tpu.memory_space<hbm>> -> memref<1x128xf32, #tpu.memory_space<hbm>>
      %dma_wait3A_83 = tpu.memref_squeeze %dma_wait3A_82 : memref<1x128xf32, #tpu.memory_space<hbm>> -> memref<128xf32, #tpu.memory_space<hbm>>
      %dma_wait3A_84 = arith.constant 0 : i32
      %dma_wait3A_85 = tpu.memref_slice %arg5[%add3A, %dma_wait3A_84] : memref<32x128xf32, #tpu.memory_space<hbm>> -> memref<1x128xf32, #tpu.memory_space<hbm>>
      %dma_wait3A_86 = tpu.memref_squeeze %dma_wait3A_85 : memref<1x128xf32, #tpu.memory_space<hbm>> -> memref<128xf32, #tpu.memory_space<hbm>>
      tpu.wait_dma2 semaphore(%run_scoped3A : memref<!tpu.dma_semaphore, #tpu.memory_space<semaphore_mem>>) src(%arg10 : memref<128xf32, #tpu.memory_space<vmem>>) dst(%dma_wait3A_86 : memref<128xf32, #tpu.memory_space<hbm>>)
      tpu.yield
    }) : () -> ()
    "tpu.region"() ({
      %run_scoped3A = tpu.sem_alloc : memref<!tpu.dma_semaphore, #tpu.memory_space<semaphore_mem>>
      %dma_start3A = arith.constant 0 : i32
      %dma_start3A_77 = tpu.memref_slice %arg6[%add3A, %dma_start3A] : memref<32x128xi32, #tpu.memory_space<hbm>> -> memref<1x128xi32, #tpu.memory_space<hbm>>
      %dma_start3A_78 = tpu.memref_squeeze %dma_start3A_77 : memref<1x128xi32, #tpu.memory_space<hbm>> -> memref<128xi32, #tpu.memory_space<hbm>>
      %dma_start3A_79 = arith.constant 0 : i32
      %dma_start3A_80 = tpu.memref_slice %arg6[%add3A, %dma_start3A_79] : memref<32x128xi32, #tpu.memory_space<hbm>> -> memref<1x128xi32, #tpu.memory_space<hbm>>
      %dma_start3A_81 = tpu.memref_squeeze %dma_start3A_80 : memref<1x128xi32, #tpu.memory_space<hbm>> -> memref<128xi32, #tpu.memory_space<hbm>>
      tpu.enqueue_dma source(%arg11 : memref<128xi32, #tpu.memory_space<vmem>>) target(%dma_start3A_81 : memref<128xi32, #tpu.memory_space<hbm>>) target_semaphore(%run_scoped3A : memref<!tpu.dma_semaphore, #tpu.memory_space<semaphore_mem>>)
      %dma_wait3A = arith.constant 0 : i32
      %dma_wait3A_82 = tpu.memref_slice %arg6[%add3A, %dma_wait3A] : memref<32x128xi32, #tpu.memory_space<hbm>> -> memref<1x128xi32, #tpu.memory_space<hbm>>
      %dma_wait3A_83 = tpu.memref_squeeze %dma_wait3A_82 : memref<1x128xi32, #tpu.memory_space<hbm>> -> memref<128xi32, #tpu.memory_space<hbm>>
      %dma_wait3A_84 = arith.constant 0 : i32
      %dma_wait3A_85 = tpu.memref_slice %arg6[%add3A, %dma_wait3A_84] : memref<32x128xi32, #tpu.memory_space<hbm>> -> memref<1x128xi32, #tpu.memory_space<hbm>>
      %dma_wait3A_86 = tpu.memref_squeeze %dma_wait3A_85 : memref<1x128xi32, #tpu.memory_space<hbm>> -> memref<128xi32, #tpu.memory_space<hbm>>
      tpu.wait_dma2 semaphore(%run_scoped3A : memref<!tpu.dma_semaphore, #tpu.memory_space<semaphore_mem>>) src(%arg11 : memref<128xi32, #tpu.memory_space<vmem>>) dst(%dma_wait3A_86 : memref<128xi32, #tpu.memory_space<hbm>>)
      tpu.yield
    }) : () -> ()
    return
  }
}

module attributes {stable_mosaic.version = 14 : i64} {
  func.func @_pass1_body(%arg0: i32, %arg1: memref<1x1x20000xi32, #tpu.memory_space<vmem>>, %arg2: memref<20000x128xf32, #tpu.memory_space<vmem>>, %arg3: memref<1x128xf32, #tpu.memory_space<vmem>>, %arg4: memref<1x1xf32, #tpu.memory_space<vmem>>, %arg5: memref<128x128xf32, #tpu.memory_space<vmem>>, %arg6: memref<1x128xf32, #tpu.memory_space<vmem>>, %arg7: memref<128x1xf32, #tpu.memory_space<vmem>>, %arg8: memref<1x1xf32, #tpu.memory_space<vmem>>, %arg9: memref<1x1x20000xf32, #tpu.memory_space<vmem>>, %arg10: memref<16x1xf32, #tpu.memory_space<vmem>>, %arg11: memref<16x1xf32, #tpu.memory_space<vmem>>, %arg12: memref<16x1xf32, #tpu.memory_space<vmem>>, %arg13: memref<16x1xf32, #tpu.memory_space<vmem>>, %arg14: memref<16x128xf32, #tpu.memory_space<vmem>>) attributes {dimension_semantics = [#tpu.dimension_semantics<arbitrary>], iteration_bounds = array<i64: 5>, scalar_prefetch = 0 : i64, scratch_operands = 3 : i64, tpu.core_type = #tpu.core_type<tc>, window_params = [{transform_indices = @transform_0, window_bounds = array<i64: 1, 1, 20000>}, {transform_indices = @transform_1, window_bounds = array<i64: 20000, 128>}, {pipeline_mode = #tpu.pipeline_mode<synchronous>, transform_indices = @transform_2, window_bounds = array<i64: 1, 128>}, {pipeline_mode = #tpu.pipeline_mode<synchronous>, transform_indices = @transform_3, window_bounds = array<i64: 1, 1>}, {pipeline_mode = #tpu.pipeline_mode<synchronous>, transform_indices = @transform_4, window_bounds = array<i64: 128, 128>}, {pipeline_mode = #tpu.pipeline_mode<synchronous>, transform_indices = @transform_5, window_bounds = array<i64: 1, 128>}, {pipeline_mode = #tpu.pipeline_mode<synchronous>, transform_indices = @transform_6, window_bounds = array<i64: 128, 1>}, {pipeline_mode = #tpu.pipeline_mode<synchronous>, transform_indices = @transform_7, window_bounds = array<i64: 1, 1>}, {transform_indices = @transform_8, window_bounds = array<i64: 1, 1, 20000>}, {pipeline_mode = #tpu.pipeline_mode<synchronous>, transform_indices = @transform_9, window_bounds = array<i64: 16, 1>}, {pipeline_mode = #tpu.pipeline_mode<synchronous>, transform_indices = @transform_10, window_bounds = array<i64: 16, 1>}]} {
    %eq3A = arith.constant 0 : i32
    %eq3A_0 = arith.cmpi eq, %arg0, %eq3A : i32
    %convert_element_type3A = arith.extui %eq3A_0 : i1 to i32
    %cond3A = arith.constant 0 : i32
    %cond3A_1 = arith.cmpi ne, %convert_element_type3A, %cond3A : i32
    scf.if %cond3A_1 {
      %broadcast_in_dim3A_79 = arith.constant 0xFF800000 : f32
      %broadcast_in_dim3A_80 = vector.broadcast %broadcast_in_dim3A_79 : f32 to vector<16x1xf32>
      %swap3A_81 = arith.constant 0 : index
      %swap3A_82 = arith.constant 0 : index
      %swap3A_83 = vector.load %arg12[%swap3A_81, %swap3A_82] : memref<16x1xf32, #tpu.memory_space<vmem>>, vector<16x1xf32>
      tpu.vector_store %arg12[%swap3A_81, %swap3A_82], %broadcast_in_dim3A_80 {strides = array<i32>} : memref<16x1xf32, #tpu.memory_space<vmem>>, vector<16x1xf32>,
      %broadcast_in_dim3A_84 = arith.constant 0.000000e+00 : f32
      %broadcast_in_dim3A_85 = vector.broadcast %broadcast_in_dim3A_84 : f32 to vector<16x1xf32>
      %swap3A_86 = arith.constant 0 : index
      %swap3A_87 = arith.constant 0 : index
      %swap3A_88 = vector.load %arg13[%swap3A_86, %swap3A_87] : memref<16x1xf32, #tpu.memory_space<vmem>>, vector<16x1xf32>
      tpu.vector_store %arg13[%swap3A_86, %swap3A_87], %broadcast_in_dim3A_85 {strides = array<i32>} : memref<16x1xf32, #tpu.memory_space<vmem>>, vector<16x1xf32>,
      %broadcast_in_dim3A_89 = arith.constant 0.000000e+00 : f32
      %broadcast_in_dim3A_90 = vector.broadcast %broadcast_in_dim3A_89 : f32 to vector<16x128xf32>
      %swap3A_91 = arith.constant 0 : index
      %swap3A_92 = arith.constant 0 : index
      %swap3A_93 = vector.load %arg14[%swap3A_91, %swap3A_92] : memref<16x128xf32, #tpu.memory_space<vmem>>, vector<16x128xf32>
      tpu.vector_store %arg14[%swap3A_91, %swap3A_92], %broadcast_in_dim3A_90 {strides = array<i32>} : memref<16x128xf32, #tpu.memory_space<vmem>>, vector<16x128xf32>,
    } else {
    }
    %get3A = arith.constant 0 : index
    %get3A_2 = arith.constant 0 : index
    %get3A_3 = vector.load %arg2[%get3A, %get3A_2] : memref<20000x128xf32, #tpu.memory_space<vmem>>, vector<20000x128xf32>
    %get3A_4 = arith.constant 0 : index
    %get3A_5 = arith.constant 0 : index
    %get3A_6 = vector.load %arg3[%get3A_4, %get3A_5] : memref<1x128xf32, #tpu.memory_space<vmem>>, vector<1x128xf32>
    %dot_general3A = arith.constant dense<0.000000e+00> : vector<1x20000xf32>
    %dot_general3A_7 = tpu.matmul %get3A_6, %get3A_3, %dot_general3A {dimension_numbers = #tpu.dot_dimension_numbers<[1], [1], [0], [0], [0, 0, 1, 0], [], []>, transpose_lhs_hint = false} : vector<1x128xf32>, vector<20000x128xf32>, vector<1x20000xf32> -> vector<1x20000xf32>
    %get3A_8 = arith.constant 0 : index
    %get3A_9 = arith.constant 0 : index
    %get3A_10 = vector.load %arg4[%get3A_8, %get3A_9] : memref<1x1xf32, #tpu.memory_space<vmem>>, vector<1x1xf32>
    %get3A_11 = vector.extract %get3A_10[0, 0] : f32 from vector<1x1xf32>
    %add3A = vector.broadcast %get3A_11 : f32 to vector<1x20000xf32>
    %add3A_12 = arith.addf %dot_general3A_7, %add3A : vector<1x20000xf32>
    %broadcast_in_dim3A = vector.shape_cast %add3A_12 : vector<1x20000xf32> to vector<1x1x20000xf32>
    %swap3A = arith.constant 0 : index
    %swap3A_13 = arith.constant 0 : index
    %swap3A_14 = arith.constant 0 : index
    %swap3A_15 = vector.load %arg9[%swap3A, %swap3A_13, %swap3A_14] : memref<1x1x20000xf32, #tpu.memory_space<vmem>>, vector<1x1x20000xf32>
    tpu.vector_store %arg9[%swap3A, %swap3A_13, %swap3A_14], %broadcast_in_dim3A {strides = array<i32>} : memref<1x1x20000xf32, #tpu.memory_space<vmem>>, vector<1x1x20000xf32>,
    %get3A_16 = arith.constant 0 : index
    %get3A_17 = arith.constant 0 : index
    %get3A_18 = arith.constant 0 : index
    %get3A_19 = vector.load %arg1[%get3A_16, %get3A_17, %get3A_18] : memref<1x1x20000xi32, #tpu.memory_space<vmem>>, vector<1x1x20000xi32>
    %get3A_20 = vector.shape_cast %get3A_19 : vector<1x1x20000xi32> to vector<1x20000xi32>
    %iota3A = tpu.iota {dimensions = array<i32: 0>} : vector<16x1xi32>
    %eq3A_21 = vector.broadcast %get3A_20 : vector<1x20000xi32> to vector<16x20000xi32>
    %eq3A_22 = vector.broadcast %iota3A : vector<16x1xi32> to vector<16x20000xi32>
    %eq3A_23 = arith.cmpi eq, %eq3A_21, %eq3A_22 : vector<16x20000xi32>
    %jit3A = arith.constant 0xFF800000 : f32
    %broadcast_in_dim3A_24 = vector.shape_cast %add3A_12 : vector<1x20000xf32> to vector<1x20000xf32>
    %broadcast_in_dim3A_25 = vector.broadcast %broadcast_in_dim3A_24 : vector<1x20000xf32> to vector<16x20000xf32>
    %broadcast_in_dim3A_26 = vector.broadcast %jit3A : f32 to vector<16x20000xf32>
    %select_n3A = arith.select %eq3A_23, %broadcast_in_dim3A_25, %broadcast_in_dim3A_26 : vector<16x20000xi1>, vector<16x20000xf32>
    %reduce_max3A = arith.constant dense<0xFF800000> : vector<16xf32>
    %reduce_max3A_27 = vector.multi_reduction <maximumf>, %select_n3A, %reduce_max3A [1] : vector<16x20000xf32> to vector<16xf32>
    %broadcast_in_dim3A_28 = vector.shape_cast %reduce_max3A_27 : vector<16xf32> to vector<16x1xf32>
    %get3A_29 = arith.constant 0 : index
    %get3A_30 = arith.constant 0 : index
    %get3A_31 = vector.load %arg12[%get3A_29, %get3A_30] : memref<16x1xf32, #tpu.memory_space<vmem>>, vector<16x1xf32>
    %max3A = arith.maximumf %get3A_31, %broadcast_in_dim3A_28 : vector<16x1xf32>
    %eq3A_32 = arith.cmpf oeq, %max3A, %get3A_31 : vector<16x1xf32>
    %sub3A = arith.subf %get3A_31, %max3A : vector<16x1xf32>
    %exp3A = math.exp %sub3A : vector<16x1xf32>
    %jit3A_33 = arith.constant 1.000000e+00 : f32
    %broadcast_in_dim3A_34 = vector.broadcast %jit3A_33 : f32 to vector<16x1xf32>
    %select_n3A_35 = arith.select %eq3A_32, %broadcast_in_dim3A_34, %exp3A : vector<16x1xi1>, vector<16x1xf32>
    %jit3A_36 = arith.constant 0.000000e+00 : f32
    %broadcast_in_dim3A_37 = vector.shape_cast %max3A : vector<16x1xf32> to vector<16x1xf32>
    %broadcast_in_dim3A_38 = vector.broadcast %broadcast_in_dim3A_37 : vector<16x1xf32> to vector<16x20000xf32>
    %broadcast_in_dim3A_39 = vector.broadcast %jit3A_36 : f32 to vector<16x20000xf32>
    %select_n3A_40 = arith.select %eq3A_23, %broadcast_in_dim3A_38, %broadcast_in_dim3A_39 : vector<16x20000xi1>, vector<16x20000xf32>
    %reduce_sum3A = arith.constant dense<0.000000e+00> : vector<20000xf32>
    %reduce_sum3A_41 = vector.multi_reduction <add>, %select_n3A_40, %reduce_sum3A [0] : vector<16x20000xf32> to vector<20000xf32>
    %broadcast_in_dim3A_42 = vector.shape_cast %reduce_sum3A_41 : vector<20000xf32> to vector<1x20000xf32>
    %sub3A_43 = arith.subf %add3A_12, %broadcast_in_dim3A_42 : vector<1x20000xf32>
    %exp3A_44 = math.exp %sub3A_43 : vector<1x20000xf32>
    %jit3A_45 = arith.constant 0.000000e+00 : f32
    %broadcast_in_dim3A_46 = vector.shape_cast %exp3A_44 : vector<1x20000xf32> to vector<1x20000xf32>
    %broadcast_in_dim3A_47 = vector.broadcast %broadcast_in_dim3A_46 : vector<1x20000xf32> to vector<16x20000xf32>
    %broadcast_in_dim3A_48 = vector.broadcast %jit3A_45 : f32 to vector<16x20000xf32>
    %select_n3A_49 = arith.select %eq3A_23, %broadcast_in_dim3A_47, %broadcast_in_dim3A_48 : vector<16x20000xi1>, vector<16x20000xf32>
    %get3A_50 = arith.constant 0 : index
    %get3A_51 = arith.constant 0 : index
    %get3A_52 = vector.load %arg13[%get3A_50, %get3A_51] : memref<16x1xf32, #tpu.memory_space<vmem>>, vector<16x1xf32>
    %mul3A = arith.mulf %get3A_52, %select_n3A_35 : vector<16x1xf32>
    %reduce_sum3A_53 = arith.constant dense<0.000000e+00> : vector<16xf32>
    %reduce_sum3A_54 = vector.multi_reduction <add>, %select_n3A_49, %reduce_sum3A_53 [1] : vector<16x20000xf32> to vector<16xf32>
    %broadcast_in_dim3A_55 = vector.shape_cast %reduce_sum3A_54 : vector<16xf32> to vector<16x1xf32>
    %add3A_56 = arith.addf %mul3A, %broadcast_in_dim3A_55 : vector<16x1xf32>
    %swap3A_57 = arith.constant 0 : index
    %swap3A_58 = arith.constant 0 : index
    %swap3A_59 = vector.load %arg13[%swap3A_57, %swap3A_58] : memref<16x1xf32, #tpu.memory_space<vmem>>, vector<16x1xf32>
    tpu.vector_store %arg13[%swap3A_57, %swap3A_58], %add3A_56 {strides = array<i32>} : memref<16x1xf32, #tpu.memory_space<vmem>>, vector<16x1xf32>,
    %get3A_60 = arith.constant 0 : index
    %get3A_61 = arith.constant 0 : index
    %get3A_62 = vector.load %arg14[%get3A_60, %get3A_61] : memref<16x128xf32, #tpu.memory_space<vmem>>, vector<16x128xf32>
    %mul3A_63 = vector.broadcast %select_n3A_35 : vector<16x1xf32> to vector<16x128xf32>
    %mul3A_64 = arith.mulf %get3A_62, %mul3A_63 : vector<16x128xf32>
    %dot_general3A_65 = arith.constant dense<0.000000e+00> : vector<16x128xf32>
    %dot_general3A_66 = tpu.matmul %select_n3A_49, %get3A_3, %dot_general3A_65 {dimension_numbers = #tpu.dot_dimension_numbers<[1], [0], [0], [1], [0, 0, 1, 1], [], []>, precision = #tpu.contract_precision<fp32>, transpose_lhs_hint = false} : vector<16x20000xf32>, vector<20000x128xf32>, vector<16x128xf32> -> vector<16x128xf32>
    %add3A_67 = arith.addf %mul3A_64, %dot_general3A_66 : vector<16x128xf32>
    %swap3A_68 = arith.constant 0 : index
    %swap3A_69 = arith.constant 0 : index
    %swap3A_70 = vector.load %arg14[%swap3A_68, %swap3A_69] : memref<16x128xf32, #tpu.memory_space<vmem>>, vector<16x128xf32>
    tpu.vector_store %arg14[%swap3A_68, %swap3A_69], %add3A_67 {strides = array<i32>} : memref<16x128xf32, #tpu.memory_space<vmem>>, vector<16x128xf32>,
    %swap3A_71 = arith.constant 0 : index
    %swap3A_72 = arith.constant 0 : index
    %swap3A_73 = vector.load %arg12[%swap3A_71, %swap3A_72] : memref<16x1xf32, #tpu.memory_space<vmem>>, vector<16x1xf32>
    tpu.vector_store %arg12[%swap3A_71, %swap3A_72], %max3A {strides = array<i32>} : memref<16x1xf32, #tpu.memory_space<vmem>>, vector<16x1xf32>,
    %eq3A_74 = arith.constant 4 : i32
    %eq3A_75 = arith.cmpi eq, %arg0, %eq3A_74 : i32
    %convert_element_type3A_76 = arith.extui %eq3A_75 : i1 to i32
    %cond3A_77 = arith.constant 0 : i32
    %cond3A_78 = arith.cmpi ne, %convert_element_type3A_76, %cond3A_77 : i32
    scf.if %cond3A_78 {
      %get3A_79 = arith.constant 0 : index
      %get3A_80 = arith.constant 0 : index
      %get3A_81 = vector.load %arg13[%get3A_79, %get3A_80] : memref<16x1xf32, #tpu.memory_space<vmem>>, vector<16x1xf32>
      %get3A_82 = arith.constant 0 : index
      %get3A_83 = arith.constant 0 : index
      %get3A_84 = vector.load %arg14[%get3A_82, %get3A_83] : memref<16x128xf32, #tpu.memory_space<vmem>>, vector<16x128xf32>
      %gt3A = arith.constant 0.000000e+00 : f32
      %gt3A_85 = vector.broadcast %gt3A : f32 to vector<16x1xf32>
      %gt3A_86 = arith.cmpf ogt, %get3A_81, %gt3A_85 : vector<16x1xf32>
      %jit3A_87 = arith.constant 1.000000e+00 : f32
      %broadcast_in_dim3A_88 = vector.broadcast %jit3A_87 : f32 to vector<16x1xf32>
      %select_n3A_89 = arith.select %gt3A_86, %get3A_81, %broadcast_in_dim3A_88 : vector<16x1xi1>, vector<16x1xf32>
      %div3A = vector.broadcast %select_n3A_89 : vector<16x1xf32> to vector<16x128xf32>
      %div3A_90 = arith.divf %get3A_84, %div3A : vector<16x128xf32>
      %get3A_91 = arith.constant 0 : index
      %get3A_92 = arith.constant 0 : index
      %get3A_93 = vector.load %arg5[%get3A_91, %get3A_92] : memref<128x128xf32, #tpu.memory_space<vmem>>, vector<128x128xf32>
      %dot_general3A_94 = arith.constant dense<0.000000e+00> : vector<16x128xf32>
      %dot_general3A_95 = tpu.matmul %div3A_90, %get3A_93, %dot_general3A_94 {dimension_numbers = #tpu.dot_dimension_numbers<[1], [0], [0], [1], [0, 0, 1, 1], [], []>, transpose_lhs_hint = false} : vector<16x128xf32>, vector<128x128xf32>, vector<16x128xf32> -> vector<16x128xf32>
      %get3A_96 = arith.constant 0 : index
      %get3A_97 = arith.constant 0 : index
      %get3A_98 = vector.load %arg6[%get3A_96, %get3A_97] : memref<1x128xf32, #tpu.memory_space<vmem>>, vector<1x128xf32>
      %add3A_99 = vector.broadcast %get3A_98 : vector<1x128xf32> to vector<16x128xf32>
      %add3A_100 = arith.addf %dot_general3A_95, %add3A_99 : vector<16x128xf32>
      %integer_pow3A = arith.mulf %add3A_100, %add3A_100 : vector<16x128xf32>
      %integer_pow3A_101 = arith.mulf %add3A_100, %integer_pow3A : vector<16x128xf32>
      %mul3A_102 = arith.constant 4.471500e-02 : f32
      %mul3A_103 = vector.broadcast %mul3A_102 : f32 to vector<16x128xf32>
      %mul3A_104 = arith.mulf %mul3A_103, %integer_pow3A_101 : vector<16x128xf32>
      %add3A_105 = arith.addf %add3A_100, %mul3A_104 : vector<16x128xf32>
      %mul3A_106 = arith.constant 0.797884583 : f32
      %mul3A_107 = vector.broadcast %mul3A_106 : f32 to vector<16x128xf32>
      %mul3A_108 = arith.mulf %mul3A_107, %add3A_105 : vector<16x128xf32>
      %tanh3A = math.tanh %mul3A_108 : vector<16x128xf32>
      %add3A_109 = arith.constant 1.000000e+00 : f32
      %add3A_110 = vector.broadcast %add3A_109 : f32 to vector<16x128xf32>
      %add3A_111 = arith.addf %add3A_110, %tanh3A : vector<16x128xf32>
      %mul3A_112 = arith.constant 5.000000e-01 : f32
      %mul3A_113 = vector.broadcast %mul3A_112 : f32 to vector<16x128xf32>
      %mul3A_114 = arith.mulf %mul3A_113, %add3A_111 : vector<16x128xf32>
      %mul3A_115 = arith.mulf %add3A_100, %mul3A_114 : vector<16x128xf32>
      %get3A_116 = arith.constant 0 : index
      %get3A_117 = arith.constant 0 : index
      %get3A_118 = vector.load %arg7[%get3A_116, %get3A_117] : memref<128x1xf32, #tpu.memory_space<vmem>>, vector<128x1xf32>
      %dot_general3A_119 = arith.constant dense<0.000000e+00> : vector<16x1xf32>
      %dot_general3A_120 = tpu.matmul %mul3A_115, %get3A_118, %dot_general3A_119 {dimension_numbers = #tpu.dot_dimension_numbers<[1], [0], [0], [1], [0, 0, 1, 1], [], []>, transpose_lhs_hint = false} : vector<16x128xf32>, vector<128x1xf32>, vector<16x1xf32> -> vector<16x1xf32>
      %get3A_121 = arith.constant 0 : index
      %get3A_122 = arith.constant 0 : index
      %get3A_123 = vector.load %arg8[%get3A_121, %get3A_122] : memref<1x1xf32, #tpu.memory_space<vmem>>, vector<1x1xf32>
      %get3A_124 = vector.extract %get3A_123[0, 0] : f32 from vector<1x1xf32>
      %add3A_125 = vector.broadcast %get3A_124 : f32 to vector<16x1xf32>
      %add3A_126 = arith.addf %dot_general3A_120, %add3A_125 : vector<16x1xf32>
      %swap3A_127 = arith.constant 0 : index
      %swap3A_128 = arith.constant 0 : index
      %swap3A_129 = vector.load %arg10[%swap3A_127, %swap3A_128] : memref<16x1xf32, #tpu.memory_space<vmem>>, vector<16x1xf32>
      tpu.vector_store %arg10[%swap3A_127, %swap3A_128], %add3A_126 {strides = array<i32>} : memref<16x1xf32, #tpu.memory_space<vmem>>, vector<16x1xf32>,
      %get3A_130 = arith.constant 0 : index
      %get3A_131 = arith.constant 0 : index
      %get3A_132 = vector.load %arg12[%get3A_130, %get3A_131] : memref<16x1xf32, #tpu.memory_space<vmem>>, vector<16x1xf32>
      %gt3A_133 = arith.constant 0.000000e+00 : f32
      %gt3A_134 = vector.broadcast %gt3A_133 : f32 to vector<16x1xf32>
      %gt3A_135 = arith.cmpf ogt, %get3A_81, %gt3A_134 : vector<16x1xf32>
      %jit3A_136 = arith.constant 1.000000e+00 : f32
      %broadcast_in_dim3A_137 = vector.broadcast %jit3A_136 : f32 to vector<16x1xf32>
      %select_n3A_138 = arith.select %gt3A_135, %get3A_81, %broadcast_in_dim3A_137 : vector<16x1xi1>, vector<16x1xf32>
      %log3A = math.log %select_n3A_138 : vector<16x1xf32>
      %add3A_139 = arith.addf %get3A_132, %log3A : vector<16x1xf32>
      %swap3A_140 = arith.constant 0 : index
      %swap3A_141 = arith.constant 0 : index
      %swap3A_142 = vector.load %arg11[%swap3A_140, %swap3A_141] : memref<16x1xf32, #tpu.memory_space<vmem>>, vector<16x1xf32>
      tpu.vector_store %arg11[%swap3A_140, %swap3A_141], %add3A_139 {strides = array<i32>} : memref<16x1xf32, #tpu.memory_space<vmem>>, vector<16x1xf32>,
    } else {
    }
    return
  }
  func.func @transform_0(%arg0: i32) -> (i32, i32, i32) {
    %c0_i32 = arith.constant 0 : i32
    %c0_i32_0 = arith.constant 0 : i32
    %c0_i32_1 = arith.constant 0 : i32
    return %arg0, %c0_i32, %c0_i32_0 : i32, i32, i32
  }
  func.func @transform_1(%arg0: i32) -> (i32, i32) {
    %c0_i32 = arith.constant 0 : i32
    %c0_i32_0 = arith.constant 0 : i32
    return %arg0, %c0_i32 : i32, i32
  }
  func.func @transform_2(%arg0: i32) -> (i32, i32) {
    %c0_i32 = arith.constant 0 : i32
    %c0_i32_0 = arith.constant 0 : i32
    %c0_i32_1 = arith.constant 0 : i32
    return %c0_i32, %c0_i32_0 : i32, i32
  }
  func.func @transform_3(%arg0: i32) -> (i32, i32) {
    %c0_i32 = arith.constant 0 : i32
    %c0_i32_0 = arith.constant 0 : i32
    %c0_i32_1 = arith.constant 0 : i32
    return %c0_i32, %c0_i32_0 : i32, i32
  }
  func.func @transform_4(%arg0: i32) -> (i32, i32) {
    %c0_i32 = arith.constant 0 : i32
    %c0_i32_0 = arith.constant 0 : i32
    %c0_i32_1 = arith.constant 0 : i32
    return %c0_i32, %c0_i32_0 : i32, i32
  }
  func.func @transform_5(%arg0: i32) -> (i32, i32) {
    %c0_i32 = arith.constant 0 : i32
    %c0_i32_0 = arith.constant 0 : i32
    %c0_i32_1 = arith.constant 0 : i32
    return %c0_i32, %c0_i32_0 : i32, i32
  }
  func.func @transform_6(%arg0: i32) -> (i32, i32) {
    %c0_i32 = arith.constant 0 : i32
    %c0_i32_0 = arith.constant 0 : i32
    %c0_i32_1 = arith.constant 0 : i32
    return %c0_i32, %c0_i32_0 : i32, i32
  }
  func.func @transform_7(%arg0: i32) -> (i32, i32) {
    %c0_i32 = arith.constant 0 : i32
    %c0_i32_0 = arith.constant 0 : i32
    %c0_i32_1 = arith.constant 0 : i32
    return %c0_i32, %c0_i32_0 : i32, i32
  }
  func.func @transform_8(%arg0: i32) -> (i32, i32, i32) {
    %c0_i32 = arith.constant 0 : i32
    %c0_i32_0 = arith.constant 0 : i32
    %c0_i32_1 = arith.constant 0 : i32
    return %arg0, %c0_i32, %c0_i32_0 : i32, i32, i32
  }
  func.func @transform_9(%arg0: i32) -> (i32, i32) {
    %c0_i32 = arith.constant 0 : i32
    %c0_i32_0 = arith.constant 0 : i32
    %c0_i32_1 = arith.constant 0 : i32
    return %c0_i32, %c0_i32_0 : i32, i32
  }
  func.func @transform_10(%arg0: i32) -> (i32, i32) {
    %c0_i32 = arith.constant 0 : i32
    %c0_i32_0 = arith.constant 0 : i32
    %c0_i32_1 = arith.constant 0 : i32
    return %c0_i32, %c0_i32_0 : i32, i32
  }
}

module attributes {stable_mosaic.version = 14 : i64} {
  func.func @_merge_body(%arg0: memref<32x128xf32, #tpu.memory_space<vmem>>, %arg1: memref<32x128xi32, #tpu.memory_space<vmem>>, %arg2: memref<64x1xf32, #tpu.memory_space<vmem>>, %arg3: memref<64x1xi32, #tpu.memory_space<vmem>>) attributes {dimension_semantics = [], scalar_prefetch = 0 : i64, scratch_operands = 0 : i64, tpu.core_type = #tpu.core_type<tc>} {
    %get3A = arith.constant 0 : index
    %get3A_0 = arith.constant 0 : index
    %get3A_1 = vector.load %arg1[%get3A, %get3A_0] : memref<32x128xi32, #tpu.memory_space<vmem>>, vector<32x128xi32>
    %get3A_2 = arith.constant 0 : index
    %get3A_3 = arith.constant 0 : index
    %get3A_4 = vector.load %arg0[%get3A_2, %get3A_3] : memref<32x128xf32, #tpu.memory_space<vmem>>, vector<32x128xf32>
    %scan3A = arith.constant 1073741824 : i32
    %scan3A_5 = arith.constant 0 : i32
    %scan3A_6 = arith.constant 64 : i32
    %scan3A_7 = arith.addi %scan3A_5, %scan3A_6 : i32
    %scan3A_8 = arith.constant 1 : i32
    %scan3A_9 = scf.for %scan3A_11 = %scan3A_5 to %scan3A_7 step %scan3A_8 iter_args(%scan3A_12 = %get3A_4) -> (vector<32x128xf32>)  : i32 {
      %reduce_max3A = vector.shape_cast %scan3A_12 : vector<32x128xf32> to vector<1x32x128xf32>
      %reduce_max3A_13 = arith.constant dense<0xFF800000> : vector<1xf32>
      %reduce_max3A_14 = vector.multi_reduction <maximumf>, %reduce_max3A, %reduce_max3A_13 [1, 2] : vector<1x32x128xf32> to vector<1xf32>
      %reduce_max3A_15 = vector.shape_cast %reduce_max3A_14 : vector<1xf32> to vector<1x1x1xf32>
      %reduce_max3A_16 = vector.extract %reduce_max3A_15[0, 0, 0] : f32 from vector<1x1x1xf32>
      %eq3A = vector.broadcast %reduce_max3A_16 : f32 to vector<32x128xf32>
      %eq3A_17 = arith.cmpf oeq, %scan3A_12, %eq3A : vector<32x128xf32>
      %broadcast_in_dim3A = vector.broadcast %scan3A : i32 to vector<32x128xi32>
      %select_n3A = arith.select %eq3A_17, %get3A_1, %broadcast_in_dim3A : vector<32x128xi1>, vector<32x128xi32>
      %reduce_min3A = vector.shape_cast %select_n3A : vector<32x128xi32> to vector<1x32x128xi32>
      %reduce_min3A_18 = arith.constant dense<2147483647> : vector<1xi32>
      %reduce_min3A_19 = vector.multi_reduction <minsi>, %reduce_min3A, %reduce_min3A_18 [1, 2] : vector<1x32x128xi32> to vector<1xi32>
      %reduce_min3A_20 = vector.shape_cast %reduce_min3A_19 : vector<1xi32> to vector<1x1x1xi32>
      %reduce_min3A_21 = vector.extract %reduce_min3A_20[0, 0, 0] : i32 from vector<1x1x1xi32>
      %exp3A = math.exp %reduce_max3A_16 : f32
      %reshape3A = vector.broadcast %exp3A : f32 to vector<1x1xf32>
      %swap3A = arith.index_cast %scan3A_11 : i32 to index
      %swap3A_22 = arith.constant 0 : index
      %swap3A_23 = vector.load %arg2[%swap3A, %swap3A_22] : memref<64x1xf32, #tpu.memory_space<vmem>>, vector<1x1xf32>
      tpu.vector_store %arg2[%swap3A, %swap3A_22], %reshape3A {strides = array<i32>} : memref<64x1xf32, #tpu.memory_space<vmem>>, vector<1x1xf32>,
      %reshape3A_24 = vector.broadcast %reduce_min3A_21 : i32 to vector<1x1xi32>
      %swap3A_25 = arith.index_cast %scan3A_11 : i32 to index
      %swap3A_26 = arith.constant 0 : index
      %swap3A_27 = vector.load %arg3[%swap3A_25, %swap3A_26] : memref<64x1xi32, #tpu.memory_space<vmem>>, vector<1x1xi32>
      tpu.vector_store %arg3[%swap3A_25, %swap3A_26], %reshape3A_24 {strides = array<i32>} : memref<64x1xi32, #tpu.memory_space<vmem>>, vector<1x1xi32>,
      %eq3A_28 = vector.broadcast %reduce_min3A_21 : i32 to vector<32x128xi32>
      %eq3A_29 = arith.cmpi eq, %get3A_1, %eq3A_28 : vector<32x128xi32>
      %jit3A = arith.constant 0xFF800000 : f32
      %broadcast_in_dim3A_30 = vector.broadcast %jit3A : f32 to vector<32x128xf32>
      %select_n3A_31 = arith.select %eq3A_29, %broadcast_in_dim3A_30, %scan3A_12 : vector<32x128xi1>, vector<32x128xf32>
      scf.yield %select_n3A_31 : vector<32x128xf32>
    }
    %scan3A_10 = arith.constant 64 : i32
    return
  }
}

</mosaic_0001>

<sc_bundles>
// kernel: kernel.5.cloned.1.call-start
scs
__scs_entry_jumppad:
0x0: {  	(pc) =	sbr.rel $0x88, $3  }
0x1: {  	(tag) =	ssettag $0x0;
	lr =	simm.s32 $0x1  }
0x2: {  	[smem:$0x3F99] =	sst lr;
	_ =	strace $0xD0000000  }
0x3: {  	_ = 	snop  }
0x4: {  	_ = 	snop  }
0x5: {  	_ = 	snop  }
0x6: {  	_ = 	snop  }
0x7: {  	_ = 	snop  }
__scs_overlays_trampoline_lowered:
0x8: {  	[smem:$0x3FA8] =	sst s0  }
0x9: {  	[smem:$0x3FA9] =	sst s1  }
0xa: {  	[smem:$0x3FAA] =	sst s2  }
0xb: {  	[smem:$0x3FAB] =	sst s3  }
0xc: {  	[smem:$0x3FAC] =	sst s4  }
0xd: {  	[smem:$0x3FAD] =	sst s5  }
0xe: {  	[smem:$0x3FAE] =	sst s6  }
0xf: {  	[smem:$0x3FAF] =	sst s7  }
0x10: {  	[smem:$0x3FB0] =	sst s8  }
0x11: {  	[smem:$0x3FB1] =	sst s9;
	s0 =	simm.s32 @!p0 $0x0  }
0x12: {  	s1 =	sld [smem:$0x3F97];
	s0 =	simm.s32 @p0 $0x1  }
0x13: {  	[smem:$0x3FB2] =	sst s0;
	s0 =	simm.s32 @!p1 $0x0  }
0x14: {  	s2 =	sld [smem:$0x3F96];
	s0 =	simm.s32 @p1 $0x1  }
0x15: {  	[smem:$0x3FB3] =	sst s0;
	s0 =	simm.s32 @!p2 $0x0  }
0x16: {  	s3 =	sld [smem:$0x3FDB];
	s0 =	simm.s32 @p2 $0x1  }
0x17: {  	s4 =	simm.s32 $0x1BF5;
	[smem:$0x3FB5] =	sst s0  }
0x18: {  	s0 =	sld [smem:$0x3F98];
	_ =	swait.ge [sflag:s4], $0x0  }
0x19: {  	s7 =	sld [smem:$0x3F99]  }
0x1a: {  	s8 =	sadd.s32 $0xFFFFE003, lr  }
0x1b: {  	s9 =	sadd.s32 $0xFFFFFEF7, lr;
	s5 =	simm.s32 $0xFFFFFFFF;
	p2 =	slt.u32 s8, $0xFFFFF086  }
0x1c: {  	p1 =	slt.u32 s9, $0xF7A;
	s5 =	simm.s32 @!p2 $0x0  }
0x1d: {  	s5 =	simm.s32 @p1 $0x1;
	p0 =	seq.s32 s7, s2  }
0x1e: {  	s7 =	smul.u32 @!p0 $0xF7A, s2;
	p2 =	seq.s32 @!p0 s5, $0x0  }
0x1f: {  	s9 =	smul.u32 $0xF7A, s1;
	s8 =	simm.s32 @!p0 $0x1BF5;
	p2 =	por !p2, p0  }
0x20: {  	[sflag:s8] =	ssyncset.s32 @!p0 $0xFFFFF086;
	s6 =	sadd.s32 @!p0 s3, s7;
	s7 =	simm.s32 @!p0 $0x108  }
0x21: {  	s3 =	sadd.s32 s3, s9;
	s6 =	sadd.s32 @!p0 $0x88, s6;
	s7 =	simm.s32 @p2 $0x1082  }
0x22: {  	[simem:s7], [sflag:s8] =	dma.local @!p0 [hbm:s6], $0xF7A  }
0x23: {  	s9 =	sor.u32 $0xD0000000, s2;
	s6 =	simm.s32 $0x108;
	_ =	swait.ge @!p0 [sflag:s8], $0x0  }
0x24: {  	s3 =	sadd.s32 $0x88, s3;
	s6 =	simm.s32 @!p1 $0x1082;
	[sflag:s4] =	ssyncset.s32 $0xFFFFF086  }
0x25: {  	[simem:s6], [sflag:s4] =	dma.local [hbm:s3], $0xF7A  }
0x26: {  	[smem:$0x3F99] =	sst s1;
	(tag) =	ssettag s2;
	_ =	strace s9  }
0x27: {  	s1 =	sld [smem:$0x3FA9]  }
0x28: {  	s2 =	sld [smem:$0x3FAA]  }
0x29: {  	s4 =	sld [smem:$0x3FAC]  }
0x2a: {  	p0 =	seq.s32 s5, $0x0;
	s5 =	sld [smem:$0x3FAD]  }
0x2b: {  	s6 =	sld [smem:$0x3FAE]  }
0x2c: {  	s7 =	sld [smem:$0x3FAF]  }
0x2d: {  	s3 =	simm.s32 $0x108;
	s8 =	sld [smem:$0x3FB0]  }
0x2e: {  	s3 =	simm.s32 @!p0 $0x1082;
	s9 =	sld [smem:$0x3FB1]  }
0x2f: {  	lr =	sadd.s32 s0, s3;
	s0 =	sld [smem:$0x3FA8]  }
0x30: {  	s3 =	sld [smem:$0x3FAB]  }
0x31: {  	[smem:$0x3FB4] =	sst s10  }
0x32: {  	s10 =	sld [smem:$0x3FB2];
	_ =	sdelay $0x3  }
0x33: {  	p0 =	seq.s32 s10, $0x1;
	s10 =	sld [smem:$0x3FB4];
	_ =	sdelay $0x3  }
0x34: {  	[smem:$0x3FB4] =	sst s10  }
0x35: {  	s10 =	sld [smem:$0x3FB3];
	_ =	sdelay $0x3  }
0x36: {  	p1 =	seq.s32 s10, $0x1;
	s10 =	sld [smem:$0x3FB4];
	_ =	sdelay $0x3  }
0x37: {  	[smem:$0x3FB4] =	sst s10  }
0x38: {  	s10 =	sld [smem:$0x3FB5]  }
0x39: {  	_ = 	snop;
	(pc) =	sbr.ind lr, $3  }
0x3a: {  	_ = 	snop  }
0x3b: {  	_ = 	snop  }
0x3c: {  	p2 =	seq.s32 s10, $0x1;
	s10 =	sld [smem:$0x3FB4]  }
0x3d: {  	_ =	shalt  }
0x3e: {  	_ =	shalt  }
0x3f: {  	_ =	shalt  }
0x40: {  	_ =	shalt  }
0x41: {  	_ =	shalt  }
0x42: {  	_ =	shalt  }
0x43: {  	_ =	shalt  }
0x44: {  	_ =	shalt  }
0x45: {  	_ =	shalt  }
0x46: {  	_ =	shalt  }
0x47: {  	_ =	shalt  }
0x48: {  	_ =	shalt  }
0x49: {  	_ =	shalt  }
0x4a: {  	_ =	shalt  }
0x4b: {  	_ =	shalt  }
0x4c: {  	_ =	shalt  }
0x4d: {  	_ =	shalt  }
0x4e: {  	_ =	shalt  }
0x4f: {  	_ =	shalt  }
0x50: {  	_ =	shalt  }
0x51: {  	_ =	shalt  }
0x52: {  	_ =	shalt  }
0x53: {  	_ =	shalt  }
0x54: {  	_ =	shalt  }
0x55: {  	_ =	shalt  }
0x56: {  	_ =	shalt  }
0x57: {  	_ =	shalt  }
0x58: {  	_ =	shalt  }
0x59: {  	_ =	shalt  }
0x5a: {  	_ =	shalt  }
0x5b: {  	_ =	shalt  }
0x5c: {  	_ =	shalt  }
0x5d: {  	_ =	shalt  }
0x5e: {  	_ =	shalt  }
0x5f: {  	_ =	shalt  }
0x60: {  	_ =	shalt  }
0x61: {  	_ =	shalt  }
0x62: {  	_ =	shalt  }
0x63: {  	_ =	shalt  }
0x64: {  	_ =	shalt  }
0x65: {  	_ =	shalt  }
0x66: {  	_ =	shalt  }
0x67: {  	_ =	shalt  }
0x68: {  	_ =	shalt  }
0x69: {  	_ =	shalt  }
0x6a: {  	_ =	shalt  }
0x6b: {  	_ =	shalt  }
0x6c: {  	_ =	shalt  }
0x6d: {  	_ =	shalt  }
0x6e: {  	_ =	shalt  }
0x6f: {  	_ =	shalt  }
0x70: {  	_ =	shalt  }
0x71: {  	_ =	shalt  }
0x72: {  	_ =	shalt  }
0x73: {  	_ =	shalt  }
0x74: {  	_ =	shalt  }
0x75: {  	_ =	shalt  }
0x76: {  	_ =	shalt  }
0x77: {  	_ =	shalt  }
0x78: {  	_ =	shalt  }
0x79: {  	_ =	shalt  }
0x7a: {  	_ =	shalt  }
0x7b: {  	_ =	shalt  }
0x7c: {  	_ =	shalt  }
0x7d: {  	_ =	shalt  }
0x7e: {  	_ =	shalt  }
0x7f: {  	_ =	shalt  }
0x80: {  	_ =	shalt  }
0x81: {  	_ =	shalt  }
0x82: {  	_ =	shalt  }
0x83: {  	_ =	shalt  }
0x84: {  	_ =	shalt  }
0x85: {  	_ =	shalt  }
0x86: {  	_ =	shalt  }
0x87: {  	_ =	shalt  }
.Lfunc_end0:
.L_simem_size_0:
called_computation_lowered:
.L_overlay_start_0:
0x88: {  	s2 =	sld [smem:$0x3FD9]  }
0x89: {  	s3 =	sld [smem:$0x3FFE];
	_ =	sdelay $0x1  }
0x8a: {  	s1 =	srdreg.scid  }
0x8b: {  	s0 =	sand.u32 $0x1, s1  }
0x8c: {  	s14 =	sshll.u32 s0, $0xA;
	s2 =	sadd.s32 s3, s2  }
0x8d: {  	s2 =	sadd.s32 s2, s14  }
0x8e: {  	[smem:$0x3FC0] =	sst s2  }
0x8f: {  	_ = 	snop  }
0x90: {  	s2 =	sld [smem:$0x3FD0];
	_ =	sdelay $0x2  }
0x91: {  	s4 =	simm.s32 $0xA;
	s5 =	simm.s32 $0x10;
	s15 =	sld [smem:$0x3FC8]  }
0x92: {  	[smem:s5], [sflag:s4] =	dma.local [hbm:s2], $0x1  }
0x93: {  	_ =	swait.eq [sflag:s4], $0x1  }
0x94: {  	[sflag:s4] =	ssyncset.done $0x0  }
0x95: {  	[sflag:s4] =	ssyncadd.s32 $0xFFFFFFFF  }
0x96: {  	s16 =	sld [smem:$0x12];
	(tm) =	ssettm $0x1  }
0x97: {  	s17 =	sld [smem:$0x3FFB];
	_ =	sdelay $0x3  }
0x98: {  	_ =	strace s17  }
0x99: {  	s4 =	sld [smem:$0x3FFC];
	_ =	sdelay $0x3  }
0x9a: {  	_ =	strace s4  }
0x9b: {  	s4 =	sld [smem:$0x3FFD];
	_ =	sdelay $0x3  }
0x9c: {  	_ =	strace s4  }
0x9d: {  	_ =	strace $0x8FFFFFFF  }
0x9e: {  	s18 =	sld [smem:$0x3FDB];
	_ =	sdelay $0x1  }
0x9f: {  	s19 =	simm.s32 $_scs_section_size  }
0xa0: {  	s6 =	simm.s32 $_size__tile_overlayer_lowered;
	s7 =	simm.s32 $_tile_overlayer_lowered  }
0xa1: {  	s22 =	simm.s32 $0x1BFF;
	s21 =	sshll.u32 s7, $0x1;
	s4 =	sadd.s32 s19, s18  }
0xa2: {  	s8 =	simm.s32 $0x0;
	s20 =	sshll.u32 s6, $0x1;
	s6 =	sadd.s32 s21, s4  }
0xa3: {  	[timem:s8], [sflag:s22] =	dma.local [hbm:s6], s20  }
0xa4: {  	_ =	swait.ge [sflag:s22], s20  }
0xa5: {  	s5 =	ssub.s32 $0x0, s20;
	[sflag:s22] =	ssyncset.done $0x0  }
0xa6: {  	[sflag:s22] =	ssyncadd.s32 s5;
	_ =	sdelay $0x1  }
0xa7: {  	s23 =	simm.s32 $0x1B8B  }
0xa8: {  	_ =	swait.ge [sflag:s23], $0x1  }
0xa9: {  	[sflag:s23] =	ssyncset.done $0x0  }
0xaa: {  	s25 =	simm.s32 $0x1B8E;
	s24 =	sld [smem:$0x3FFE];
	[sflag:s23] =	ssyncadd.s32 $0xFFFFFFFF  }
0xab: {  	s26 =	simm.s32 $execute0_lowered;
	[smem:$0x3FD2] =	sst s25  }
0xac: {  	s6 =	sshll.u32 s26, $0x1;
	_ =	strace $0x80000046;
	[dreg:$0x1] =	wrdreg $0xFFFFFFFF  }
0xad: {  	s28 =	simm.s32 $_size_execute0_lowered;
	s4 =	sadd.s32 s4, s6;
	[dreg:$0x0] =	wrdreg $0x0  }
0xae: {  	s6 =	sshll.u32 s28, $0x1;
	[dreg:$0x2] =	wrdreg s4  }
0xaf: {  	[dreg:$0x3] =	wrdreg s6  }
0xb0: {  	[dreg:$0x4] =	wrdreg $0xC0  }
0xb1: {  	_ =	task [dreg:s8], $0x5FFFF  }
0xb2: {  	[dreg:$0x1] =	wrdreg $0xFFFFFFFF  }
0xb3: {  	[dreg:$0x0] =	wrdreg $0x60  }
0xb4: {  	[dreg:$0x2] =	wrdreg s24  }
0xb5: {  	[dreg:$0x3] =	wrdreg s15  }
0xb6: {  	[dreg:$0x4] =	wrdreg s16  }
0xb7: {  	[dreg:$0x5] =	wrdreg $0x9  }
0xb8: {  	_ =	task.clear_ibuf [dreg:s8], $0x6FFFF;
	_ =	strace $0x90000046  }
0xb9: {  	s29 =	simm.s32 $0x9;
	_ =	strace $0x80000048  }
0xba: {  	_ =	swait.ge [sflag:s29], $0x1  }
0xbb: {  	[sflag:s29] =	ssyncadd.s32 $0xFFFFFFFF  }
0xbc: {  	_ =	strace $0x90000048  }
0xbd: {  	_ =	sfence  }
0xbe: {  	s30 =	sld [smem:$0x0];
	_ =	sdelay $0x2  }
0xbf: {  	s31 =	sshll.u32 s1, $0xD;
	s1 =	sshrl.u32 s1, $0x2  }
0xc0: {  	s3 =	sand.u32 $0x4000, s31;
	s1 =	sadd.s32 s1, s30  }
0xc1: {  	s0 =	sor.u32 s3, s0;
	s1 =	sshll.u32 s1, $0x11  }
0xc2: {  	s0 =	sor.u32 s1, s0  }
0xc3: {  	s0 =	sadd.s32 $0x8F2B, s0  }
0xc4: {  	[sflag:s0] =	ssyncadd.remote.s32 $0x1  }
0xc5: {  	_ =	sfence.sel $0xFFFF  }
0xc6: {  	[dreg:$0x0] =	wrdreg $0xFFFFFFFF;
	(pc) =	sbr.abs _section_cstart, $3  }
0xc7: {  	[dreg:$0x1] =	wrdreg $0xFFFFFFFF  }
0xc8: {  	_ =	task.clear_ibuf [dreg:s8], $0x2FFFF;
	_ =	strace $0x9FFFFFFF  }
0xc9: {  	(tm) =	ssettm $0x7FFFFFFF  }
tec
execute0_lowered:
.L_overlay_start_1:
0x0: {  	(tag) =	ssettag $0x1  }
0x1: {  	s4 =	rddreg [dreg:$0x0]  }
0x2: {  	s5 =	rddreg [dreg:$0x1];
	s1 =	srdreg.scid  }
0x3: {  	s0 =	stileid.u32;
	s2 =	rddreg [dreg:$0x2]  }
0x4: {  	s3 =	simm.s32 $0x0;
	s13 =	simm.s32 $0x1980;
	s14 =	simm.s32 $0x1A00  }
0x5: {  	s15 =	simm.s32 $0x0;
	s6 =	sand.u32 $0x1, s1;
	s1 =	rddreg [dreg:$0x3]  }
0x6: {  	s7 =	sshll.u32 s0, $0x1;
	[smem:$0x7FF] =	sst s3;
	s10 =	smul.u32 $0x1880, s0  }
0x7: {  	s7 =	sor.u32 s6, s7;
	s9 =	ssub.s32 $0x2, s6;
	s12 =	smul.u32 $0xC40, s6  }
0x8: {  	s8 =	smul.u32 $0xC40, s7;
	s7 =	sshll.u32 s7, $0x4;
	s11 =	sshrl.u32 s9, $0x1  }
0x9: {  	_ =	strace $0x80000047;
	s7 =	sadd.s32 s7, s4;
	s9 =	ssub.s32 s9, s11  }
0xa: {  	s10 =	sadd.s32 s12, s10;
	s11 =	simm.s32 $0x1;
	s8 =	smin.u32 s8, $0x17A60  }
0xb: {  	s12 =	simm.s32 $0xC80;
	s6 =	sadd.s32 $0x3200, s7;
	s8 =	sshrl.u32 s8, $0x3  }
0xc: {  	s7 =	sadd.s32 $0x3400, s7;
	s4 =	sadd.s32 s4, s8;
	s5 =	sadd.s32 s5, s8  }
0xd: {  	v0 =	vlaneseq.u32;
	s8 =	smax.u32 s9, $0x1;
	s9 =	smin.u32 s10, $0x17A60;
	s10 =	simm.s32 $0x1900  }
.LBB2_1:
0xe: {  	[tilespmem:s10], [sflag:$0x1] =	stream.linear.gather [hbm4b:s2+s3], $0x80, $0x38;
	[tilespmem:$0x1A80] =	vst v63  }
0xf: {  	_ =	swait.ge [sflag:s11], $0x80  }
0x10: {  	[sflag:s11] =	ssyncset.done $0x0  }
0x11: {  	[sflag:s11] =	ssyncadd.s32 $0xFFFFFF80  }
0x12: {  	[tilespmem:s3], [sflag:$0x1] =	stream.linear.gather [hbm4b:s4+s3], $0xC40, $0x38;
	[tilespmem:$0x1A80] =	vst v63  }
0x13: {  	_ =	swait.ge [sflag:s11], $0xC40  }
0x14: {  	[sflag:s11] =	ssyncset.done $0x0  }
0x15: {  	[sflag:s11] =	ssyncadd.s32 $0xFFFFF3C0  }
0x16: {  	[tilespmem:s12], [sflag:$0x1] =	stream.linear.gather [hbm4b:s5+s3], $0xC40, $0x38;
	[tilespmem:$0x1A80] =	vst v63  }
0x17: {  	_ =	swait.ge [sflag:s11], $0xC40  }
0x18: {  	[sflag:s11] =	ssyncset.done $0x0  }
0x19: {  	[sflag:s11] =	ssyncadd.s32 $0xFFFFF3C0  }
0x1a: {  	s16 =	simm.s32 $0x0;
	v2 =	vld [tilespmem:$0x1900]  }
0x1b: {  	v1 =	vld [tilespmem:s16+$0xC80];
	_ =	sdelay $0x1  }
0x1c: {  	v3 =	vld [tilespmem:s16+$0x0];
	_ =	sdelay $0x2  }
0x1d: {  	v1 =	vperm.xlane v2, v1  }
0x1e: {  	s31 =	simm.s32 $0x10  }
0x1f: {  	v6 =	vld [tilespmem:s31+$0xC80];
	v4 =	vsub.f32 v3, v1  }
0x20: {  	v3 =	vimm.f32 $-Inf  }
0x21: {  	vm0 =	vgt.f32 v4, v3  }
0x22: {  	v7 =	vor.u32 s9, v0;
	v19 =	vimm.f32 $-Inf;
	v5 =	vsel vm0, v3, v4  }
0x23: {  	v17 =	vimm.f32 $-Inf;
	s16 =	sadd.s32 $0x10, s9;
	v12 =	vsel vm0, v4, v3;
	v4 =	vld [tilespmem:s31+$0x0];
	vm1 =	vgt.f32 v5, v3  }
0x24: {  	v16 =	vor.u32 s16, v0;
	v6 =	vperm.xlane v2, v6;
	v9 =	vsel vm1, v3, v5  }
0x25: {  	v1 =	vimm.s32 $0x0;
	v10 =	vsel vm1, v5, v3;
	vm2 =	vgt.f32 v9, v3  }
0x26: {  	v8 =	vsel vm2, v9, v3;
	v5 =	vsel vm2, v3, v9;
	v9 =	vsel vm0, v1, v7  }
0x27: {  	v13 =	vsel vm0, v7, v1;
	vm5 =	vgt.f32 v5, v3;
	v14 =	vsel vm1, v9, v1  }
0x28: {  	v9 =	vsel vm1, v1, v9;
	v22 =	vsub.f32 v4, v6;
	v11 =	vsel vm5, v3, v5  }
0x29: {  	v7 =	vsel vm5, v5, v3;
	v4 =	vsel vm2, v1, v9;
	vm1 =	vgt.f32 v11, v3  }
0x2a: {  	vm4 =	vgt.f32 v22, v12;
	v6 =	vsel vm5, v1, v4;
	v23 =	vsel vm1, v3, v11  }
0x2b: {  	v5 =	vsel vm1, v11, v3;
	v11 =	vsel vm2, v9, v1;
	vm2 =	vgt.f32 v23, v3  }
0x2c: {  	v15 =	vsel vm5, v4, v1;
	v4 =	vimm.s32 $0x0;
	v20 =	vsel vm2, v3, v23  }
0x2d: {  	v24 =	vsel vm4, v12, v22;
	v9 =	vsel vm1, v6, v1;
	vm0 =	vgt.f32 v20, v3  }
0x2e: {  	v26 =	vsel vm1, v1, v6;
	vm3 =	vgt.f32 v24, v10;
	v27 =	vsel vm0, v3, v20  }
0x2f: {  	s17 =	simm.s32 $0x80;
	v21 =	vmovc v13;
	v6 =	vimm.s32 $0x0;
	v18 =	vmovc v9;
	v25 =	vsel vm3, v10, v24;
	vm1 =	vgt.f32 v27, v3  }
.LBB2_2:
0x30: {  	s18 =	sshra.s32 s17, $0x2;
	p0 =	sne.s32 s17, $0x30C0;
	s17 =	sadd.s32 $0x40, s17;
	v3 =	vsel vm2, v23, v3;
	v23 =	vsel vm2, v1, v26;
	v19 =	vsel vm1, v27, v19  }
0x31: {  	v1 =	vsel vm2, v26, v1;
	v17 =	vsel vm0, v20, v17;
	v27 =	vld [tilespmem:s18+$0xC80];
	v20 =	vsel vm0, v6, v23  }
0x32: {  	v12 =	vsel vm4, v22, v12;
	v6 =	vsel vm0, v23, v6;
	v4 =	vsel vm1, v20, v4  }
0x33: {  	v13 =	vsel vm4, v16, v13;
	v10 =	vsel vm3, v24, v10;
	vm0 =	vgt.f32 v25, v8;
	v20 =	vld [tilespmem:s18+$0x0]  }
0x34: {  	s16 =	sadd.s32 $0x10, s16;
	v22 =	vsel vm0, v8, v25;
	v8 =	vsel vm0, v25, v8  }
0x35: {  	v23 =	vsel vm4, v21, v16;
	v16 =	vor.u32 s16, v0;
	v21 =	vmovc v13;
	vm1 =	vgt.f32 v22, v7  }
0x36: {  	v25 =	vsel vm1, v7, v22;
	v7 =	vsel vm1, v22, v7;
	v24 =	vperm.xlane v2, v27  }
0x37: {  	v26 =	vsel vm3, v14, v23;
	v14 =	vsel vm3, v23, v14;
	vm5 =	vgt.f32 v25, v5  }
0x38: {  	v23 =	vsel vm5, v5, v25;
	v5 =	vsel vm5, v25, v5;
	v22 =	vsub.f32 v20, v24  }
.Ltmp0:
0x39: {  	v25 =	vsel vm0, v11, v26;
	v11 =	vsel vm0, v26, v11;
	vm2 =	vgt.f32 v23, v3;
	(pc) =	sbr.rel @p0 .LBB2_2-.Ltmp0, $4  }
0x3a: {  	v26 =	vsel vm1, v15, v25;
	v20 =	vsel vm2, v3, v23;
	vm4 =	vgt.f32 v22, v12  }
0x3b: {  	v9 =	vsel vm5, v26, v9;
	vm0 =	vgt.f32 v20, v17;
	v24 =	vsel vm4, v12, v22  }
0x3c: {  	v15 =	vsel vm1, v25, v15;
	v27 =	vsel vm0, v17, v20;
	vm3 =	vgt.f32 v24, v10  }
0x3d: {  	v26 =	vsel vm5, v18, v26;
	v18 =	vmovc v9;
	vm1 =	vgt.f32 v27, v19;
	v25 =	vsel vm3, v10, v24  }
0x3e: {  	v2 =	vsel vm4, v22, v12  }
0x3f: {  	v50 =	vsel vm4, v16, v13;
	[tilespmem:$0x1980] =	vst v2  }
0x40: {  	v51 =	vsel vm4, v21, v16;
	v2 =	vsel vm2, v23, v3;
	v3 =	vsel vm3, v24, v10;
	[tilespmem:$0x1A00] =	vst v50  }
0x41: {  	v52 =	vsel vm2, v1, v26;
	vm10 =	vgt.f32 v25, v8;
	v53 =	vsel vm3, v51, v14;
	[tilespmem:$0x1990] =	vst v3  }
0x42: {  	v54 =	vsel vm10, v8, v25;
	v10 =	vsel vm3, v14, v51;
	v3 =	vsel vm10, v25, v8;
	[tilespmem:$0x1A10] =	vst v53  }
0x43: {  	v55 =	vsel vm1, v27, v19;
	vm11 =	vgt.f32 v54, v7;
	v14 =	vsel vm10, v10, v11;
	[tilespmem:$0x19A0] =	vst v3  }
0x44: {  	v57 =	vsel vm10, v11, v10;
	v3 =	vsel vm11, v54, v7;
	v56 =	vsel vm11, v7, v54;
	[tilespmem:$0x1A20] =	vst v14  }
0x45: {  	v1 =	vsel vm2, v26, v1;
	v10 =	vsel vm11, v57, v15;
	vm12 =	vgt.f32 v56, v5;
	[tilespmem:$0x19B0] =	vst v3  }
0x46: {  	v59 =	vsel vm11, v15, v57;
	[tilespmem:$0x1A30] =	vst v10;
	v3 =	vsel vm12, v56, v5;
	v58 =	vsel vm12, v5, v56  }
0x47: {  	v60 =	vsel vm0, v20, v17;
	v9 =	vsel vm12, v59, v9;
	vm13 =	vgt.f32 v58, v2;
	[tilespmem:$0x19C0] =	vst v3  }
0x48: {  	v7 =	vsel vm12, v18, v59;
	[tilespmem:$0x1A40] =	vst v9;
	v3 =	vsel vm13, v2, v58;
	v2 =	vsel vm13, v58, v2  }
0x49: {  	v61 =	vsel vm0, v52, v6;
	v62 =	vsel vm13, v7, v1;
	vm14 =	vgt.f32 v3, v60;
	[tilespmem:$0x19D0] =	vst v2  }
0x4a: {  	v1 =	vsel vm13, v1, v7;
	[tilespmem:$0x1A50] =	vst v62;
	v2 =	vsel vm14, v60, v3;
	v3 =	vsel vm14, v3, v60  }
0x4b: {  	v63 =	vsel vm0, v6, v52;
	v7 =	vsel vm14, v1, v61;
	vm15 =	vgt.f32 v2, v55;
	[tilespmem:$0x19E0] =	vst v3  }
0x4c: {  	v1 =	vsel vm14, v61, v1;
	v3 =	vsel vm1, v63, v4;
	[tilespmem:$0x1A60] =	vst v7;
	v2 =	vsel vm15, v2, v55  }
0x4d: {  	v1 =	vsel vm15, v1, v3;
	[tilespmem:$0x19F0] =	vst v2  }
0x4e: {  	[tilespmem:$0x1A70] =	vst v1  }
0x4f: {  	[hbm4b:s6+s3] =	stream.linear.scatter [tilespmem:s13], [sflag:$0x1], $0x80, $0x38;
	[tilespmem:$0x1A80] =	vst v63  }
0x50: {  	s15 =	sadd.s32 $0x1, s15;
	_ =	swait.ge [sflag:s11], $0x80  }
0x51: {  	p0 =	sne.s32 s15, s8;
	[sflag:s11] =	ssyncset.done $0x0  }
.Ltmp1:
0x52: {  	[sflag:s11] =	ssyncadd.s32 $0xFFFFFF80;
	(pc) =	sbr.rel @p0 .LBB2_1-.Ltmp1, $4  }
0x53: {  	[hbm4b:s7+s3] =	stream.linear.scatter [tilespmem:s14], [sflag:$0x1], $0x80, $0x38;
	[tilespmem:$0x1A80] =	vst v63  }
0x54: {  	_ =	swait.ge [sflag:s11], $0x80  }
0x55: {  	[sflag:s11] =	ssyncset.done $0x0  }
0x56: {  	[sflag:s11] =	ssyncadd.s32 $0xFFFFFF80  }
0x57: {  	_ =	sfence.sel $0x180000  }
0x58: {  	[bflag:$0x0] =	sbarrier.arrive $0xFFFF  }
0x59: {  	p0 =	sne.s32 s0, $0x0;
	_ =	strace $0x90000047  }
0x5a: {  	s0 =	sadd.s32 @!p0 $0x100000, s1;
	[bflag:$0x2] =	sbarrier.arrive $0xFFFF  }
0x5b: {  	[sflag:s0] =	ssyncadd.tile.s32 @!p0 $0x1;
	_ =	shalt  }
.Lfunc_end2:
_tile_overlayer_lowered:
.L_overlay_start_2:
0x5c: {  	(tag) =	ssettag $0x2  }
0x5d: {  	s0 =	rddreg [dreg:$0x0];
	s2 =	stileid.u32  }
0x5e: {  	s1 =	rddreg [dreg:$0x1];
	p0 =	sne.s32 s2, $0x0  }
0x5f: {  	s3 =	rddreg [dreg:$0x2];
	[bflag:$0x3] =	sbarrier.arrive $0xFFFF;
	s2 =	simm.s32 @!p0 $0x1C01  }
0x60: {  	[timem:s3], [sflag:s2] =	dma.local @!p0 [hbm:s0], s1  }
0x61: {  	s0 =	simm.s32 @!p0 $0x1  }
0x62: {  	_ =	swait.ge @!p0 [sflag:s0], s1  }
0x63: {  	s1 =	ssub.s32 @!p0 $0x0, s1;
	[sflag:s0] =	ssyncset.done @!p0 $0x0  }
0x64: {  	[sflag:s0] =	ssyncadd.s32 @!p0 s1  }
0x65: {  	[bflag:$0x3] =	sbarrier.arrive $0xFFFF  }
0x66: {  	_ =	shalt  }

</sc_bundles>
